<compile_context>
chip_gen: v7x
topology: tpu7x:2x2x1
jax: 0.10.2.dev20260603
libtpu: 0.0.44.dev20260713+nightly
codegen_flags: <defaults>
</compile_context>

<pallas_src>
import functools

import jax
import jax.numpy as jnp
from jax import lax
from jax.experimental import pallas as pl
from jax.experimental.pallas import tpu as pltpu
from jax.experimental.pallas import tpu_sc as plsc

NC = 2
NS = 16
NW = NC * NS
CHUNK = 128
NSPLIT = 2
LAYERS = 3


def _make_spmm(n, d, epw_chunks):
    mesh = plsc.VectorSubcoreMesh(core_axis_name="c", subcore_axis_name="s")
    rows_per_tile = n // NS
    part = CHUNK // NSPLIT

    @functools.partial(
        pl.kernel,
        mesh=mesh,
        compiler_params=pltpu.CompilerParams(needs_layout_passes=False),
        out_type=jax.ShapeDtypeStruct((NC, n, d), jnp.float32),
        scratch_types=[
            pltpu.VMEM((epw_chunks, CHUNK), jnp.int32),
            pltpu.VMEM((epw_chunks, CHUNK), jnp.int32),
            pltpu.VMEM((epw_chunks, CHUNK), jnp.float32),
            pltpu.VMEM((CHUNK, d), jnp.float32),
            pltpu.SemaphoreType.DMA,
            pltpu.SemaphoreType.DMA,
            pltpu.VMEM_SHARED((n, d), jnp.float32),
        ],
    )
    def spmm(rows_hbm, cols_hbm, vals_hbm, x_hbm, zeros_hbm, p_hbm,
             ridx_v, cidx_v, w_v, msg_v, gsem_a, gsem_b, acc_sh):
        c = lax.axis_index("c")
        s = lax.axis_index("s")
        wid = s * NC + c

        pltpu.sync_copy(rows_hbm.at[wid], ridx_v)
        pltpu.sync_copy(cols_hbm.at[wid], cidx_v)
        pltpu.sync_copy(vals_hbm.at[wid], w_v)

        pltpu.sync_copy(
            zeros_hbm.at[pl.ds(s * rows_per_tile, rows_per_tile)],
            acc_sh.at[pl.ds(s * rows_per_tile, rows_per_tile)],
        )
        plsc.subcore_barrier()

        gsems = (gsem_a, gsem_b)

        def chunk_body(i, carry):
            for k in range(NSPLIT):
                pltpu.async_copy(
                    x_hbm.at[cidx_v.at[i, pl.ds(k * part, part)]],
                    msg_v.at[pl.ds(k * part, part)],
                    gsems[k],
                )
            for k in range(NSPLIT):
                pltpu.make_async_copy(
                    x_hbm.at[cidx_v.at[i, pl.ds(k * part, part)]],
                    msg_v.at[pl.ds(k * part, part)],
                    gsems[k],
                ).wait()

            def edge_body(e, carry2):
                widx = jnp.full((16,), e, jnp.int32)
                wvec = plsc.load_gather(w_v.at[i], [widx])
                for j in range(d // 16):
                    sl = pl.ds(j * 16, 16)
                    msg_v[e, sl] = msg_v[e, sl] * wvec
                return carry2

            lax.fori_loop(0, CHUNK, edge_body, 0, unroll=2)
            pltpu.sync_copy(msg_v, acc_sh.at[ridx_v.at[i]], add=True)
            return carry

        lax.fori_loop(0, epw_chunks, chunk_body, 0)
        plsc.subcore_barrier()
        pltpu.sync_copy(
            acc_sh.at[pl.ds(s * rows_per_tile, rows_per_tile)],
            p_hbm.at[c, pl.ds(s * rows_per_tile, rows_per_tile)],
        )

    return spmm


def _make_combine(n, d, scale):
    blk = n // NS
    grid = (n // blk,)

    def body(p_ref, acc_ref, x_ref, accout_ref):
        x = p_ref[0] + p_ref[1]
        x_ref[...] = x
        accout_ref[...] = (acc_ref[...] + x) * scale

    return pl.pallas_call(
        body,
        grid=grid,
        in_specs=[
            pl.BlockSpec((2, blk, d), lambda i: (0, i, 0)),
            pl.BlockSpec((blk, d), lambda i: (i, 0)),
        ],
        out_specs=[
            pl.BlockSpec((blk, d), lambda i: (i, 0)),
            pl.BlockSpec((blk, d), lambda i: (i, 0)),
        ],
        out_shape=[
            jax.ShapeDtypeStruct((n, d), jnp.float32),
            jax.ShapeDtypeStruct((n, d), jnp.float32),
        ],
    )


def kernel(edge_index, edge_values, embedding):
    e = edge_values.shape[0]
    n, d = embedding.shape

    per = NW * CHUNK
    epad = ((e + per - 1) // per) * per
    pad = epad - e
    epw = epad // NW
    rows = jnp.pad(edge_index[0], (0, pad)).reshape(NW, epw // CHUNK, CHUNK)
    cols = jnp.pad(edge_index[1], (0, pad)).reshape(NW, epw // CHUNK, CHUNK)
    vals = jnp.pad(edge_values, (0, pad)).reshape(NW, epw // CHUNK, CHUNK)

    align = 8 * NS
    npad = ((n + align - 1) // align) * align
    x0 = jnp.pad(embedding, ((0, npad - n), (0, 0)))
    zeros = jnp.zeros((npad, d), jnp.float32)

    epw_chunks = epw // CHUNK
    spmm = _make_spmm(npad, d, epw_chunks)

    x = x0
    acc = x0
    for layer in range(LAYERS):
        p = spmm(rows, cols, vals, x, zeros)
        scale = 1.0 / (LAYERS + 1) if layer == LAYERS - 1 else 1.0
        x, acc = _make_combine(npad, d, scale)(p, acc)
    return acc[:n]

# --- scband reference (transcript-rebuilt; emitter-appended) ---
"""Pipeline reference for scband-inter-s-view-9509057593866 (READ-ONLY COPY).

The authoritative reference and input builder live on the scoring server;
editing this copy changes nothing except your own understanding.
"""

import jax, jax.numpy as jnp
import numpy as np

N = 10000
E = 320000
D = 128
LAYERS = 3

def setup_inputs(seed: int = 0) -> dict:
    key = jax.random.key(seed)
    k1, k2, k3 = jax.random.split(key, 3)
    edge_index = jax.random.randint(k1, (2, E), 0, N, dtype=jnp.int64 if jax.config.read('jax_enable_x64') else jnp.int32).astype(jnp.int32)
    edge_values = jax.random.uniform(k2, (E,), dtype=jnp.float32)
    embedding = jax.random.normal(k3, (N, D), dtype=jnp.float32)
    return {"edge_index": edge_index, "edge_values": edge_values, "embedding": embedding}

def _spmm(edge_index, edge_values, x):
    # sparse adjacency (COO: row=edge_index[0], col=edge_index[1], val=edge_values) @ x
    msgs = edge_values[:, None] * jnp.take(x, edge_index[1], axis=0)
    return jax.ops.segment_sum(msgs, edge_index[0], num_segments=N)

def reference(edge_index, edge_values, embedding):
    x = embedding
    final = [x]
    for _ in range(LAYERS):
        x = _spmm(edge_index, edge_values, x)
        final.append(x)
    out = final[0]
    for t in final[1:]:
        out = out + t
    return out / (LAYERS + 1)

if __name__ == "__main__":
    import jax
    _d = setup_inputs()
    print(jax.jit(kernel)(*tuple(_d.values())))

</pallas_src>

<mosaic_0001>
#map = affine_map<(d0, d1) -> (0, 0, 0)>
#map1 = affine_map<(d0, d1) -> (0, 0)>
module attributes {stable_mosaic.version = 14 : i64} {
  func.func @spmm(%arg0: i32, %arg1: i32, %arg2: memref<32x79x128xi32, #tpu.memory_space<hbm>>, %arg3: memref<32x79x128xi32, #tpu.memory_space<hbm>>, %arg4: memref<32x79x128xf32, #tpu.memory_space<hbm>>, %arg5: memref<10112x128xf32, #tpu.memory_space<hbm>>, %arg6: memref<10112x128xf32, #tpu.memory_space<hbm>>, %arg7: memref<2x10112x128xf32, #tpu.memory_space<hbm>>, %arg8: memref<79x128xi32, #tpu.memory_space<vmem>>, %arg9: memref<79x128xi32, #tpu.memory_space<vmem>>, %arg10: memref<79x128xf32, #tpu.memory_space<vmem>>, %arg11: memref<128x128xf32, #tpu.memory_space<vmem>>, %arg12: memref<!tpu.dma_semaphore, #tpu.memory_space<semaphore_mem>>, %arg13: memref<!tpu.dma_semaphore, #tpu.memory_space<semaphore_mem>>, %arg14: memref<10112x128xf32, #tpu.memory_space<vmem_shared>>) attributes {dimension_semantics = [#tpu.dimension_semantics<core_parallel>, #tpu.dimension_semantics<subcore_parallel>], iteration_bounds = array<i64: 2, 16>, scalar_prefetch = 0 : i64, scratch_operands = 7 : i64, tpu.core_type = #tpu.core_type<sc_vector_subcore>, window_params = [{transform_indices = #map}, {transform_indices = #map}, {transform_indices = #map}, {transform_indices = #map1}, {transform_indices = #map1}, {transform_indices = #map}]} {
    %mul3A = arith.constant 2 : i32
    %mul3A_0 = arith.muli %arg1, %mul3A : i32
    %add3A = arith.addi %mul3A_0, %arg0 : i32
    "tpu.region"() ({
      %run_scoped3A = tpu.sem_alloc : memref<!tpu.dma_semaphore, #tpu.memory_space<semaphore_mem>>
      %dma_start3A = arith.constant 0 : i32
      %dma_start3A_15 = arith.constant 0 : i32
      %dma_start3A_16 = tpu.memref_slice %arg2[%add3A, %dma_start3A, %dma_start3A_15] : memref<32x79x128xi32, #tpu.memory_space<hbm>> -> memref<1x79x128xi32, #tpu.memory_space<hbm>>
      %dma_start3A_17 = tpu.memref_squeeze %dma_start3A_16 : memref<1x79x128xi32, #tpu.memory_space<hbm>> -> memref<79x128xi32, #tpu.memory_space<hbm>>
      %dma_start3A_18 = arith.constant 0 : i32
      %dma_start3A_19 = arith.constant 0 : i32
      %dma_start3A_20 = tpu.memref_slice %arg2[%add3A, %dma_start3A_18, %dma_start3A_19] : memref<32x79x128xi32, #tpu.memory_space<hbm>> -> memref<1x79x128xi32, #tpu.memory_space<hbm>>
      %dma_start3A_21 = tpu.memref_squeeze %dma_start3A_20 : memref<1x79x128xi32, #tpu.memory_space<hbm>> -> memref<79x128xi32, #tpu.memory_space<hbm>>
      tpu.enqueue_dma source(%dma_start3A_21 : memref<79x128xi32, #tpu.memory_space<hbm>>) target(%arg8 : memref<79x128xi32, #tpu.memory_space<vmem>>) target_semaphore(%run_scoped3A : memref<!tpu.dma_semaphore, #tpu.memory_space<semaphore_mem>>)
      %dma_wait3A = arith.constant 0 : i32
      %dma_wait3A_22 = arith.constant 0 : i32
      %dma_wait3A_23 = tpu.memref_slice %arg2[%add3A, %dma_wait3A, %dma_wait3A_22] : memref<32x79x128xi32, #tpu.memory_space<hbm>> -> memref<1x79x128xi32, #tpu.memory_space<hbm>>
      %dma_wait3A_24 = tpu.memref_squeeze %dma_wait3A_23 : memref<1x79x128xi32, #tpu.memory_space<hbm>> -> memref<79x128xi32, #tpu.memory_space<hbm>>
      %dma_wait3A_25 = arith.constant 0 : i32
      %dma_wait3A_26 = arith.constant 0 : i32
      %dma_wait3A_27 = tpu.memref_slice %arg2[%add3A, %dma_wait3A_25, %dma_wait3A_26] : memref<32x79x128xi32, #tpu.memory_space<hbm>> -> memref<1x79x128xi32, #tpu.memory_space<hbm>>
      %dma_wait3A_28 = tpu.memref_squeeze %dma_wait3A_27 : memref<1x79x128xi32, #tpu.memory_space<hbm>> -> memref<79x128xi32, #tpu.memory_space<hbm>>
      tpu.wait_dma2 semaphore(%run_scoped3A : memref<!tpu.dma_semaphore, #tpu.memory_space<semaphore_mem>>) src(%dma_wait3A_28 : memref<79x128xi32, #tpu.memory_space<hbm>>) dst(%arg8 : memref<79x128xi32, #tpu.memory_space<vmem>>)
      tpu.yield
    }) : () -> ()
    "tpu.region"() ({
      %run_scoped3A = tpu.sem_alloc : memref<!tpu.dma_semaphore, #tpu.memory_space<semaphore_mem>>
      %dma_start3A = arith.constant 0 : i32
      %dma_start3A_15 = arith.constant 0 : i32
      %dma_start3A_16 = tpu.memref_slice %arg3[%add3A, %dma_start3A, %dma_start3A_15] : memref<32x79x128xi32, #tpu.memory_space<hbm>> -> memref<1x79x128xi32, #tpu.memory_space<hbm>>
      %dma_start3A_17 = tpu.memref_squeeze %dma_start3A_16 : memref<1x79x128xi32, #tpu.memory_space<hbm>> -> memref<79x128xi32, #tpu.memory_space<hbm>>
      %dma_start3A_18 = arith.constant 0 : i32
      %dma_start3A_19 = arith.constant 0 : i32
      %dma_start3A_20 = tpu.memref_slice %arg3[%add3A, %dma_start3A_18, %dma_start3A_19] : memref<32x79x128xi32, #tpu.memory_space<hbm>> -> memref<1x79x128xi32, #tpu.memory_space<hbm>>
      %dma_start3A_21 = tpu.memref_squeeze %dma_start3A_20 : memref<1x79x128xi32, #tpu.memory_space<hbm>> -> memref<79x128xi32, #tpu.memory_space<hbm>>
      tpu.enqueue_dma source(%dma_start3A_21 : memref<79x128xi32, #tpu.memory_space<hbm>>) target(%arg9 : memref<79x128xi32, #tpu.memory_space<vmem>>) target_semaphore(%run_scoped3A : memref<!tpu.dma_semaphore, #tpu.memory_space<semaphore_mem>>)
      %dma_wait3A = arith.constant 0 : i32
      %dma_wait3A_22 = arith.constant 0 : i32
      %dma_wait3A_23 = tpu.memref_slice %arg3[%add3A, %dma_wait3A, %dma_wait3A_22] : memref<32x79x128xi32, #tpu.memory_space<hbm>> -> memref<1x79x128xi32, #tpu.memory_space<hbm>>
      %dma_wait3A_24 = tpu.memref_squeeze %dma_wait3A_23 : memref<1x79x128xi32, #tpu.memory_space<hbm>> -> memref<79x128xi32, #tpu.memory_space<hbm>>
      %dma_wait3A_25 = arith.constant 0 : i32
      %dma_wait3A_26 = arith.constant 0 : i32
      %dma_wait3A_27 = tpu.memref_slice %arg3[%add3A, %dma_wait3A_25, %dma_wait3A_26] : memref<32x79x128xi32, #tpu.memory_space<hbm>> -> memref<1x79x128xi32, #tpu.memory_space<hbm>>
      %dma_wait3A_28 = tpu.memref_squeeze %dma_wait3A_27 : memref<1x79x128xi32, #tpu.memory_space<hbm>> -> memref<79x128xi32, #tpu.memory_space<hbm>>
      tpu.wait_dma2 semaphore(%run_scoped3A : memref<!tpu.dma_semaphore, #tpu.memory_space<semaphore_mem>>) src(%dma_wait3A_28 : memref<79x128xi32, #tpu.memory_space<hbm>>) dst(%arg9 : memref<79x128xi32, #tpu.memory_space<vmem>>)
      tpu.yield
    }) : () -> ()
    "tpu.region"() ({
      %run_scoped3A = tpu.sem_alloc : memref<!tpu.dma_semaphore, #tpu.memory_space<semaphore_mem>>
      %dma_start3A = arith.constant 0 : i32
      %dma_start3A_15 = arith.constant 0 : i32
      %dma_start3A_16 = tpu.memref_slice %arg4[%add3A, %dma_start3A, %dma_start3A_15] : memref<32x79x128xf32, #tpu.memory_space<hbm>> -> memref<1x79x128xf32, #tpu.memory_space<hbm>>
      %dma_start3A_17 = tpu.memref_squeeze %dma_start3A_16 : memref<1x79x128xf32, #tpu.memory_space<hbm>> -> memref<79x128xf32, #tpu.memory_space<hbm>>
      %dma_start3A_18 = arith.constant 0 : i32
      %dma_start3A_19 = arith.constant 0 : i32
      %dma_start3A_20 = tpu.memref_slice %arg4[%add3A, %dma_start3A_18, %dma_start3A_19] : memref<32x79x128xf32, #tpu.memory_space<hbm>> -> memref<1x79x128xf32, #tpu.memory_space<hbm>>
      %dma_start3A_21 = tpu.memref_squeeze %dma_start3A_20 : memref<1x79x128xf32, #tpu.memory_space<hbm>> -> memref<79x128xf32, #tpu.memory_space<hbm>>
      tpu.enqueue_dma source(%dma_start3A_21 : memref<79x128xf32, #tpu.memory_space<hbm>>) target(%arg10 : memref<79x128xf32, #tpu.memory_space<vmem>>) target_semaphore(%run_scoped3A : memref<!tpu.dma_semaphore, #tpu.memory_space<semaphore_mem>>)
      %dma_wait3A = arith.constant 0 : i32
      %dma_wait3A_22 = arith.constant 0 : i32
      %dma_wait3A_23 = tpu.memref_slice %arg4[%add3A, %dma_wait3A, %dma_wait3A_22] : memref<32x79x128xf32, #tpu.memory_space<hbm>> -> memref<1x79x128xf32, #tpu.memory_space<hbm>>
      %dma_wait3A_24 = tpu.memref_squeeze %dma_wait3A_23 : memref<1x79x128xf32, #tpu.memory_space<hbm>> -> memref<79x128xf32, #tpu.memory_space<hbm>>
      %dma_wait3A_25 = arith.constant 0 : i32
      %dma_wait3A_26 = arith.constant 0 : i32
      %dma_wait3A_27 = tpu.memref_slice %arg4[%add3A, %dma_wait3A_25, %dma_wait3A_26] : memref<32x79x128xf32, #tpu.memory_space<hbm>> -> memref<1x79x128xf32, #tpu.memory_space<hbm>>
      %dma_wait3A_28 = tpu.memref_squeeze %dma_wait3A_27 : memref<1x79x128xf32, #tpu.memory_space<hbm>> -> memref<79x128xf32, #tpu.memory_space<hbm>>
      tpu.wait_dma2 semaphore(%run_scoped3A : memref<!tpu.dma_semaphore, #tpu.memory_space<semaphore_mem>>) src(%dma_wait3A_28 : memref<79x128xf32, #tpu.memory_space<hbm>>) dst(%arg10 : memref<79x128xf32, #tpu.memory_space<vmem>>)
      tpu.yield
    }) : () -> ()
    %mul3A_1 = arith.constant 632 : i32
    %mul3A_2 = arith.muli %arg1, %mul3A_1 : i32
    %mul3A_3 = arith.constant 632 : i32
    %mul3A_4 = arith.muli %arg1, %mul3A_3 : i32
    "tpu.region"() ({
      %run_scoped3A = tpu.sem_alloc : memref<!tpu.dma_semaphore, #tpu.memory_space<semaphore_mem>>
      %dma_start3A = arith.constant 0 : i32
      %dma_start3A_15 = tpu.memref_slice %arg14[%mul3A_4, %dma_start3A] : memref<10112x128xf32, #tpu.memory_space<vmem_shared>> -> memref<632x128xf32, #tpu.memory_space<vmem_shared>>
      %dma_start3A_16 = arith.constant 0 : i32
      %dma_start3A_17 = tpu.memref_slice %arg6[%mul3A_2, %dma_start3A_16] : memref<10112x128xf32, #tpu.memory_space<hbm>> -> memref<632x128xf32, #tpu.memory_space<hbm>>
      tpu.enqueue_dma source(%dma_start3A_17 : memref<632x128xf32, #tpu.memory_space<hbm>>) target(%dma_start3A_15 : memref<632x128xf32, #tpu.memory_space<vmem_shared>>) target_semaphore(%run_scoped3A : memref<!tpu.dma_semaphore, #tpu.memory_space<semaphore_mem>>)
      %dma_wait3A = arith.constant 0 : i32
      %dma_wait3A_18 = tpu.memref_slice %arg14[%mul3A_4, %dma_wait3A] : memref<10112x128xf32, #tpu.memory_space<vmem_shared>> -> memref<632x128xf32, #tpu.memory_space<vmem_shared>>
      %dma_wait3A_19 = arith.constant 0 : i32
      %dma_wait3A_20 = tpu.memref_slice %arg6[%mul3A_2, %dma_wait3A_19] : memref<10112x128xf32, #tpu.memory_space<hbm>> -> memref<632x128xf32, #tpu.memory_space<hbm>>
      tpu.wait_dma2 semaphore(%run_scoped3A : memref<!tpu.dma_semaphore, #tpu.memory_space<semaphore_mem>>) src(%dma_wait3A_20 : memref<632x128xf32, #tpu.memory_space<hbm>>) dst(%dma_wait3A_18 : memref<632x128xf32, #tpu.memory_space<vmem_shared>>)
      tpu.yield
    }) : () -> ()
    %barrier3A = arith.constant 0 : index
    tpu.barrier barrier_id(%barrier3A)
    %scan3A = arith.constant 0 : i32
    %scan3A_5 = arith.constant 0 : i32
    %scan3A_6 = arith.constant 79 : i32
    %scan3A_7 = arith.addi %scan3A_5, %scan3A_6 : i32
    %scan3A_8 = arith.constant 1 : i32
    scf.for %scan3A_15 = %scan3A_5 to %scan3A_7 step %scan3A_8  : i32 {
      %dma_start3A = arith.constant 0 : i32
      %dma_start3A_16 = arith.constant 0 : i32
      %dma_start3A_17 = tpu.memref_slice %arg11[%dma_start3A, %dma_start3A_16] : memref<128x128xf32, #tpu.memory_space<vmem>> -> memref<64x128xf32, #tpu.memory_space<vmem>>
      %dma_start3A_18 = arith.constant 0 : i32
      %dma_start3A_19 = tpu.memref_slice %arg9[%scan3A_15, %dma_start3A_18] : memref<79x128xi32, #tpu.memory_space<vmem>> -> memref<1x64xi32, #tpu.memory_space<vmem>>
      %dma_start3A_20 = tpu.memref_squeeze %dma_start3A_19 : memref<1x64xi32, #tpu.memory_space<vmem>> -> memref<64xi32, #tpu.memory_space<vmem>>
      %dma_start3A_21 = arith.constant 0 : i32
      %dma_start3A_22 = arith.constant 0 : i32
      %dma_start3A_23 = tpu.memref_slice %arg5[%dma_start3A_21, %dma_start3A_22] : memref<10112x128xf32, #tpu.memory_space<hbm>> -> memref<10112x128xf32, #tpu.memory_space<hbm>>
      tpu.enqueue_indirect_dma source(%dma_start3A_23 : memref<10112x128xf32, #tpu.memory_space<hbm>>) target(%dma_start3A_17 : memref<64x128xf32, #tpu.memory_space<vmem>>) offsets(%dma_start3A_20 : memref<64xi32, #tpu.memory_space<vmem>>) semaphore(%arg12 : memref<!tpu.dma_semaphore, #tpu.memory_space<semaphore_mem>>)
      %dma_start3A_24 = arith.constant 64 : i32
      %dma_start3A_25 = arith.constant 0 : i32
      %dma_start3A_26 = tpu.memref_slice %arg11[%dma_start3A_24, %dma_start3A_25] : memref<128x128xf32, #tpu.memory_space<vmem>> -> memref<64x128xf32, #tpu.memory_space<vmem>>
      %dma_start3A_27 = arith.constant 64 : i32
      %dma_start3A_28 = tpu.memref_slice %arg9[%scan3A_15, %dma_start3A_27] : memref<79x128xi32, #tpu.memory_space<vmem>> -> memref<1x64xi32, #tpu.memory_space<vmem>>
      %dma_start3A_29 = tpu.memref_squeeze %dma_start3A_28 : memref<1x64xi32, #tpu.memory_space<vmem>> -> memref<64xi32, #tpu.memory_space<vmem>>
      %dma_start3A_30 = arith.constant 0 : i32
      %dma_start3A_31 = arith.constant 0 : i32
      %dma_start3A_32 = tpu.memref_slice %arg5[%dma_start3A_30, %dma_start3A_31] : memref<10112x128xf32, #tpu.memory_space<hbm>> -> memref<10112x128xf32, #tpu.memory_space<hbm>>
      tpu.enqueue_indirect_dma source(%dma_start3A_32 : memref<10112x128xf32, #tpu.memory_space<hbm>>) target(%dma_start3A_26 : memref<64x128xf32, #tpu.memory_space<vmem>>) offsets(%dma_start3A_29 : memref<64xi32, #tpu.memory_space<vmem>>) semaphore(%arg13 : memref<!tpu.dma_semaphore, #tpu.memory_space<semaphore_mem>>)
      %dma_wait3A = arith.constant 0 : i32
      %dma_wait3A_33 = arith.constant 0 : i32
      %dma_wait3A_34 = tpu.memref_slice %arg11[%dma_wait3A, %dma_wait3A_33] : memref<128x128xf32, #tpu.memory_space<vmem>> -> memref<64x128xf32, #tpu.memory_space<vmem>>
      %dma_wait3A_35 = arith.constant 0 : i32
      %dma_wait3A_36 = tpu.memref_slice %arg9[%scan3A_15, %dma_wait3A_35] : memref<79x128xi32, #tpu.memory_space<vmem>> -> memref<1x64xi32, #tpu.memory_space<vmem>>
      %dma_wait3A_37 = tpu.memref_squeeze %dma_wait3A_36 : memref<1x64xi32, #tpu.memory_space<vmem>> -> memref<64xi32, #tpu.memory_space<vmem>>
      %dma_wait3A_38 = arith.constant 0 : i32
      %dma_wait3A_39 = arith.constant 0 : i32
      %dma_wait3A_40 = tpu.memref_slice %arg5[%dma_wait3A_38, %dma_wait3A_39] : memref<10112x128xf32, #tpu.memory_space<hbm>> -> memref<10112x128xf32, #tpu.memory_space<hbm>>
      tpu.wait_indirect_dma semaphore(%arg12 : memref<!tpu.dma_semaphore, #tpu.memory_space<semaphore_mem>>) src(%dma_wait3A_40 : memref<10112x128xf32, #tpu.memory_space<hbm>>) dst(%dma_wait3A_34 : memref<64x128xf32, #tpu.memory_space<vmem>>)
      %dma_wait3A_41 = arith.constant 64 : i32
      %dma_wait3A_42 = arith.constant 0 : i32
      %dma_wait3A_43 = tpu.memref_slice %arg11[%dma_wait3A_41, %dma_wait3A_42] : memref<128x128xf32, #tpu.memory_space<vmem>> -> memref<64x128xf32, #tpu.memory_space<vmem>>
      %dma_wait3A_44 = arith.constant 64 : i32
      %dma_wait3A_45 = tpu.memref_slice %arg9[%scan3A_15, %dma_wait3A_44] : memref<79x128xi32, #tpu.memory_space<vmem>> -> memref<1x64xi32, #tpu.memory_space<vmem>>
      %dma_wait3A_46 = tpu.memref_squeeze %dma_wait3A_45 : memref<1x64xi32, #tpu.memory_space<vmem>> -> memref<64xi32, #tpu.memory_space<vmem>>
      %dma_wait3A_47 = arith.constant 0 : i32
      %dma_wait3A_48 = arith.constant 0 : i32
      %dma_wait3A_49 = tpu.memref_slice %arg5[%dma_wait3A_47, %dma_wait3A_48] : memref<10112x128xf32, #tpu.memory_space<hbm>> -> memref<10112x128xf32, #tpu.memory_space<hbm>>
      tpu.wait_indirect_dma semaphore(%arg13 : memref<!tpu.dma_semaphore, #tpu.memory_space<semaphore_mem>>) src(%dma_wait3A_49 : memref<10112x128xf32, #tpu.memory_space<hbm>>) dst(%dma_wait3A_43 : memref<64x128xf32, #tpu.memory_space<vmem>>)
      %scan3A_50 = arith.constant 0 : i32
      %scan3A_51 = arith.constant 0 : i32
      %scan3A_52 = arith.constant 128 : i32
      %scan3A_53 = arith.addi %scan3A_51, %scan3A_52 : i32
      %scan3A_54 = arith.constant 2 : i32
      scf.for %scan3A_56 = %scan3A_51 to %scan3A_53 step %scan3A_54  : i32 {
        %broadcast_in_dim3A = vector.broadcast %scan3A_56 : i32 to vector<16xi32>
        %gather3A = arith.constant 0 : i32
        %gather3A_57 = tpu.memref_slice %arg10[%scan3A_15, %gather3A] : memref<79x128xf32, #tpu.memory_space<vmem>> -> memref<1x128xf32, #tpu.memory_space<vmem>>
        %gather3A_58 = tpu.memref_squeeze %gather3A_57 : memref<1x128xf32, #tpu.memory_space<vmem>> -> memref<128xf32, #tpu.memory_space<vmem>>
        %gather3A_59 = tpu.vector_load_idx %gather3A_58[%broadcast_in_dim3A] : memref<128xf32, #tpu.memory_space<vmem>>[vector<16xi32>], vector<16xf32>,
        %get3A = arith.index_cast %scan3A_56 : i32 to index
        %get3A_60 = arith.constant 0 : index
        %get3A_61 = tpu.vector_load %arg11[%get3A, %get3A_60] {strides = array<i32>} : memref<128x128xf32, #tpu.memory_space<vmem>>, vector<16xf32>,
        %mul3A_62 = arith.mulf %get3A_61, %gather3A_59 : vector<16xf32>
        %swap3A = arith.index_cast %scan3A_56 : i32 to index
        %swap3A_63 = arith.constant 0 : index
        %swap3A_64 = tpu.vector_load %arg11[%swap3A, %swap3A_63] {strides = array<i32>} : memref<128x128xf32, #tpu.memory_space<vmem>>, vector<16xf32>,
        tpu.vector_store %arg11[%swap3A, %swap3A_63], %mul3A_62 {strides = array<i32>} : memref<128x128xf32, #tpu.memory_space<vmem>>, vector<16xf32>,
        %get3A_65 = arith.index_cast %scan3A_56 : i32 to index
        %get3A_66 = arith.constant 16 : index
        %get3A_67 = tpu.vector_load %arg11[%get3A_65, %get3A_66] {strides = array<i32>} : memref<128x128xf32, #tpu.memory_space<vmem>>, vector<16xf32>,
        %mul3A_68 = arith.mulf %get3A_67, %gather3A_59 : vector<16xf32>
        %swap3A_69 = arith.index_cast %scan3A_56 : i32 to index
        %swap3A_70 = arith.constant 16 : index
        %swap3A_71 = tpu.vector_load %arg11[%swap3A_69, %swap3A_70] {strides = array<i32>} : memref<128x128xf32, #tpu.memory_space<vmem>>, vector<16xf32>,
        tpu.vector_store %arg11[%swap3A_69, %swap3A_70], %mul3A_68 {strides = array<i32>} : memref<128x128xf32, #tpu.memory_space<vmem>>, vector<16xf32>,
        %get3A_72 = arith.index_cast %scan3A_56 : i32 to index
        %get3A_73 = arith.constant 32 : index
        %get3A_74 = tpu.vector_load %arg11[%get3A_72, %get3A_73] {strides = array<i32>} : memref<128x128xf32, #tpu.memory_space<vmem>>, vector<16xf32>,
        %mul3A_75 = arith.mulf %get3A_74, %gather3A_59 : vector<16xf32>
        %swap3A_76 = arith.index_cast %scan3A_56 : i32 to index
        %swap3A_77 = arith.constant 32 : index
        %swap3A_78 = tpu.vector_load %arg11[%swap3A_76, %swap3A_77] {strides = array<i32>} : memref<128x128xf32, #tpu.memory_space<vmem>>, vector<16xf32>,
        tpu.vector_store %arg11[%swap3A_76, %swap3A_77], %mul3A_75 {strides = array<i32>} : memref<128x128xf32, #tpu.memory_space<vmem>>, vector<16xf32>,
        %get3A_79 = arith.index_cast %scan3A_56 : i32 to index
        %get3A_80 = arith.constant 48 : index
        %get3A_81 = tpu.vector_load %arg11[%get3A_79, %get3A_80] {strides = array<i32>} : memref<128x128xf32, #tpu.memory_space<vmem>>, vector<16xf32>,
        %mul3A_82 = arith.mulf %get3A_81, %gather3A_59 : vector<16xf32>
        %swap3A_83 = arith.index_cast %scan3A_56 : i32 to index
        %swap3A_84 = arith.constant 48 : index
        %swap3A_85 = tpu.vector_load %arg11[%swap3A_83, %swap3A_84] {strides = array<i32>} : memref<128x128xf32, #tpu.memory_space<vmem>>, vector<16xf32>,
        tpu.vector_store %arg11[%swap3A_83, %swap3A_84], %mul3A_82 {strides = array<i32>} : memref<128x128xf32, #tpu.memory_space<vmem>>, vector<16xf32>,
        %get3A_86 = arith.index_cast %scan3A_56 : i32 to index
        %get3A_87 = arith.constant 64 : index
        %get3A_88 = tpu.vector_load %arg11[%get3A_86, %get3A_87] {strides = array<i32>} : memref<128x128xf32, #tpu.memory_space<vmem>>, vector<16xf32>,
        %mul3A_89 = arith.mulf %get3A_88, %gather3A_59 : vector<16xf32>
        %swap3A_90 = arith.index_cast %scan3A_56 : i32 to index
        %swap3A_91 = arith.constant 64 : index
        %swap3A_92 = tpu.vector_load %arg11[%swap3A_90, %swap3A_91] {strides = array<i32>} : memref<128x128xf32, #tpu.memory_space<vmem>>, vector<16xf32>,
        tpu.vector_store %arg11[%swap3A_90, %swap3A_91], %mul3A_89 {strides = array<i32>} : memref<128x128xf32, #tpu.memory_space<vmem>>, vector<16xf32>,
        %get3A_93 = arith.index_cast %scan3A_56 : i32 to index
        %get3A_94 = arith.constant 80 : index
        %get3A_95 = tpu.vector_load %arg11[%get3A_93, %get3A_94] {strides = array<i32>} : memref<128x128xf32, #tpu.memory_space<vmem>>, vector<16xf32>,
        %mul3A_96 = arith.mulf %get3A_95, %gather3A_59 : vector<16xf32>
        %swap3A_97 = arith.index_cast %scan3A_56 : i32 to index
        %swap3A_98 = arith.constant 80 : index
        %swap3A_99 = tpu.vector_load %arg11[%swap3A_97, %swap3A_98] {strides = array<i32>} : memref<128x128xf32, #tpu.memory_space<vmem>>, vector<16xf32>,
        tpu.vector_store %arg11[%swap3A_97, %swap3A_98], %mul3A_96 {strides = array<i32>} : memref<128x128xf32, #tpu.memory_space<vmem>>, vector<16xf32>,
        %get3A_100 = arith.index_cast %scan3A_56 : i32 to index
        %get3A_101 = arith.constant 96 : index
        %get3A_102 = tpu.vector_load %arg11[%get3A_100, %get3A_101] {strides = array<i32>} : memref<128x128xf32, #tpu.memory_space<vmem>>, vector<16xf32>,
        %mul3A_103 = arith.mulf %get3A_102, %gather3A_59 : vector<16xf32>
        %swap3A_104 = arith.index_cast %scan3A_56 : i32 to index
        %swap3A_105 = arith.constant 96 : index
        %swap3A_106 = tpu.vector_load %arg11[%swap3A_104, %swap3A_105] {strides = array<i32>} : memref<128x128xf32, #tpu.memory_space<vmem>>, vector<16xf32>,
        tpu.vector_store %arg11[%swap3A_104, %swap3A_105], %mul3A_103 {strides = array<i32>} : memref<128x128xf32, #tpu.memory_space<vmem>>, vector<16xf32>,
        %get3A_107 = arith.index_cast %scan3A_56 : i32 to index
        %get3A_108 = arith.constant 112 : index
        %get3A_109 = tpu.vector_load %arg11[%get3A_107, %get3A_108] {strides = array<i32>} : memref<128x128xf32, #tpu.memory_space<vmem>>, vector<16xf32>,
        %mul3A_110 = arith.mulf %get3A_109, %gather3A_59 : vector<16xf32>
        %swap3A_111 = arith.index_cast %scan3A_56 : i32 to index
        %swap3A_112 = arith.constant 112 : index
        %swap3A_113 = tpu.vector_load %arg11[%swap3A_111, %swap3A_112] {strides = array<i32>} : memref<128x128xf32, #tpu.memory_space<vmem>>, vector<16xf32>,
        tpu.vector_store %arg11[%swap3A_111, %swap3A_112], %mul3A_110 {strides = array<i32>} : memref<128x128xf32, #tpu.memory_space<vmem>>, vector<16xf32>,
        %scan3A_114 = arith.constant 1 : i32
        %scan3A_115 = arith.addi %scan3A_56, %scan3A_114 : i32
        %broadcast_in_dim3A_116 = vector.broadcast %scan3A_115 : i32 to vector<16xi32>
        %gather3A_117 = arith.constant 0 : i32
        %gather3A_118 = tpu.memref_slice %arg10[%scan3A_15, %gather3A_117] : memref<79x128xf32, #tpu.memory_space<vmem>> -> memref<1x128xf32, #tpu.memory_space<vmem>>
        %gather3A_119 = tpu.memref_squeeze %gather3A_118 : memref<1x128xf32, #tpu.memory_space<vmem>> -> memref<128xf32, #tpu.memory_space<vmem>>
        %gather3A_120 = tpu.vector_load_idx %gather3A_119[%broadcast_in_dim3A_116] : memref<128xf32, #tpu.memory_space<vmem>>[vector<16xi32>], vector<16xf32>,
        %get3A_121 = arith.index_cast %scan3A_115 : i32 to index
        %get3A_122 = arith.constant 0 : index
        %get3A_123 = tpu.vector_load %arg11[%get3A_121, %get3A_122] {strides = array<i32>} : memref<128x128xf32, #tpu.memory_space<vmem>>, vector<16xf32>,
        %mul3A_124 = arith.mulf %get3A_123, %gather3A_120 : vector<16xf32>
        %swap3A_125 = arith.index_cast %scan3A_115 : i32 to index
        %swap3A_126 = arith.constant 0 : index
        %swap3A_127 = tpu.vector_load %arg11[%swap3A_125, %swap3A_126] {strides = array<i32>} : memref<128x128xf32, #tpu.memory_space<vmem>>, vector<16xf32>,
        tpu.vector_store %arg11[%swap3A_125, %swap3A_126], %mul3A_124 {strides = array<i32>} : memref<128x128xf32, #tpu.memory_space<vmem>>, vector<16xf32>,
        %get3A_128 = arith.index_cast %scan3A_115 : i32 to index
        %get3A_129 = arith.constant 16 : index
        %get3A_130 = tpu.vector_load %arg11[%get3A_128, %get3A_129] {strides = array<i32>} : memref<128x128xf32, #tpu.memory_space<vmem>>, vector<16xf32>,
        %mul3A_131 = arith.mulf %get3A_130, %gather3A_120 : vector<16xf32>
        %swap3A_132 = arith.index_cast %scan3A_115 : i32 to index
        %swap3A_133 = arith.constant 16 : index
        %swap3A_134 = tpu.vector_load %arg11[%swap3A_132, %swap3A_133] {strides = array<i32>} : memref<128x128xf32, #tpu.memory_space<vmem>>, vector<16xf32>,
        tpu.vector_store %arg11[%swap3A_132, %swap3A_133], %mul3A_131 {strides = array<i32>} : memref<128x128xf32, #tpu.memory_space<vmem>>, vector<16xf32>,
        %get3A_135 = arith.index_cast %scan3A_115 : i32 to index
        %get3A_136 = arith.constant 32 : index
        %get3A_137 = tpu.vector_load %arg11[%get3A_135, %get3A_136] {strides = array<i32>} : memref<128x128xf32, #tpu.memory_space<vmem>>, vector<16xf32>,
        %mul3A_138 = arith.mulf %get3A_137, %gather3A_120 : vector<16xf32>
        %swap3A_139 = arith.index_cast %scan3A_115 : i32 to index
        %swap3A_140 = arith.constant 32 : index
        %swap3A_141 = tpu.vector_load %arg11[%swap3A_139, %swap3A_140] {strides = array<i32>} : memref<128x128xf32, #tpu.memory_space<vmem>>, vector<16xf32>,
        tpu.vector_store %arg11[%swap3A_139, %swap3A_140], %mul3A_138 {strides = array<i32>} : memref<128x128xf32, #tpu.memory_space<vmem>>, vector<16xf32>,
        %get3A_142 = arith.index_cast %scan3A_115 : i32 to index
        %get3A_143 = arith.constant 48 : index
        %get3A_144 = tpu.vector_load %arg11[%get3A_142, %get3A_143] {strides = array<i32>} : memref<128x128xf32, #tpu.memory_space<vmem>>, vector<16xf32>,
        %mul3A_145 = arith.mulf %get3A_144, %gather3A_120 : vector<16xf32>
        %swap3A_146 = arith.index_cast %scan3A_115 : i32 to index
        %swap3A_147 = arith.constant 48 : index
        %swap3A_148 = tpu.vector_load %arg11[%swap3A_146, %swap3A_147] {strides = array<i32>} : memref<128x128xf32, #tpu.memory_space<vmem>>, vector<16xf32>,
        tpu.vector_store %arg11[%swap3A_146, %swap3A_147], %mul3A_145 {strides = array<i32>} : memref<128x128xf32, #tpu.memory_space<vmem>>, vector<16xf32>,
        %get3A_149 = arith.index_cast %scan3A_115 : i32 to index
        %get3A_150 = arith.constant 64 : index
        %get3A_151 = tpu.vector_load %arg11[%get3A_149, %get3A_150] {strides = array<i32>} : memref<128x128xf32, #tpu.memory_space<vmem>>, vector<16xf32>,
        %mul3A_152 = arith.mulf %get3A_151, %gather3A_120 : vector<16xf32>
        %swap3A_153 = arith.index_cast %scan3A_115 : i32 to index
        %swap3A_154 = arith.constant 64 : index
        %swap3A_155 = tpu.vector_load %arg11[%swap3A_153, %swap3A_154] {strides = array<i32>} : memref<128x128xf32, #tpu.memory_space<vmem>>, vector<16xf32>,
        tpu.vector_store %arg11[%swap3A_153, %swap3A_154], %mul3A_152 {strides = array<i32>} : memref<128x128xf32, #tpu.memory_space<vmem>>, vector<16xf32>,
        %get3A_156 = arith.index_cast %scan3A_115 : i32 to index
        %get3A_157 = arith.constant 80 : index
        %get3A_158 = tpu.vector_load %arg11[%get3A_156, %get3A_157] {strides = array<i32>} : memref<128x128xf32, #tpu.memory_space<vmem>>, vector<16xf32>,
        %mul3A_159 = arith.mulf %get3A_158, %gather3A_120 : vector<16xf32>
        %swap3A_160 = arith.index_cast %scan3A_115 : i32 to index
        %swap3A_161 = arith.constant 80 : index
        %swap3A_162 = tpu.vector_load %arg11[%swap3A_160, %swap3A_161] {strides = array<i32>} : memref<128x128xf32, #tpu.memory_space<vmem>>, vector<16xf32>,
        tpu.vector_store %arg11[%swap3A_160, %swap3A_161], %mul3A_159 {strides = array<i32>} : memref<128x128xf32, #tpu.memory_space<vmem>>, vector<16xf32>,
        %get3A_163 = arith.index_cast %scan3A_115 : i32 to index
        %get3A_164 = arith.constant 96 : index
        %get3A_165 = tpu.vector_load %arg11[%get3A_163, %get3A_164] {strides = array<i32>} : memref<128x128xf32, #tpu.memory_space<vmem>>, vector<16xf32>,
        %mul3A_166 = arith.mulf %get3A_165, %gather3A_120 : vector<16xf32>
        %swap3A_167 = arith.index_cast %scan3A_115 : i32 to index
        %swap3A_168 = arith.constant 96 : index
        %swap3A_169 = tpu.vector_load %arg11[%swap3A_167, %swap3A_168] {strides = array<i32>} : memref<128x128xf32, #tpu.memory_space<vmem>>, vector<16xf32>,
        tpu.vector_store %arg11[%swap3A_167, %swap3A_168], %mul3A_166 {strides = array<i32>} : memref<128x128xf32, #tpu.memory_space<vmem>>, vector<16xf32>,
        %get3A_170 = arith.index_cast %scan3A_115 : i32 to index
        %get3A_171 = arith.constant 112 : index
        %get3A_172 = tpu.vector_load %arg11[%get3A_170, %get3A_171] {strides = array<i32>} : memref<128x128xf32, #tpu.memory_space<vmem>>, vector<16xf32>,
        %mul3A_173 = arith.mulf %get3A_172, %gather3A_120 : vector<16xf32>
        %swap3A_174 = arith.index_cast %scan3A_115 : i32 to index
        %swap3A_175 = arith.constant 112 : index
        %swap3A_176 = tpu.vector_load %arg11[%swap3A_174, %swap3A_175] {strides = array<i32>} : memref<128x128xf32, #tpu.memory_space<vmem>>, vector<16xf32>,
        tpu.vector_store %arg11[%swap3A_174, %swap3A_175], %mul3A_173 {strides = array<i32>} : memref<128x128xf32, #tpu.memory_space<vmem>>, vector<16xf32>,
      }
      %scan3A_55 = arith.constant 128 : i32
      "tpu.region"() ({
        %run_scoped3A = tpu.sem_alloc : memref<!tpu.dma_semaphore, #tpu.memory_space<semaphore_mem>>
        %dma_start3A_56 = arith.constant 0 : i32
        %dma_start3A_57 = tpu.memref_slice %arg8[%scan3A_15, %dma_start3A_56] : memref<79x128xi32, #tpu.memory_space<vmem>> -> memref<1x128xi32, #tpu.memory_space<vmem>>
        %dma_start3A_58 = tpu.memref_squeeze %dma_start3A_57 : memref<1x128xi32, #tpu.memory_space<vmem>> -> memref<128xi32, #tpu.memory_space<vmem>>
        %dma_start3A_59 = arith.constant 0 : i32
        %dma_start3A_60 = arith.constant 0 : i32
        %dma_start3A_61 = tpu.memref_slice %arg14[%dma_start3A_59, %dma_start3A_60] : memref<10112x128xf32, #tpu.memory_space<vmem_shared>> -> memref<10112x128xf32, #tpu.memory_space<vmem_shared>>
        tpu.enqueue_indirect_dma source(%arg11 : memref<128x128xf32, #tpu.memory_space<vmem>>) target(%dma_start3A_61 : memref<10112x128xf32, #tpu.memory_space<vmem_shared>>) offsets(%dma_start3A_58 : memref<128xi32, #tpu.memory_space<vmem>>) semaphore(%run_scoped3A : memref<!tpu.dma_semaphore, #tpu.memory_space<semaphore_mem>>) {add = true}
        %dma_wait3A_62 = arith.constant 0 : i32
        %dma_wait3A_63 = tpu.memref_slice %arg8[%scan3A_15, %dma_wait3A_62] : memref<79x128xi32, #tpu.memory_space<vmem>> -> memref<1x128xi32, #tpu.memory_space<vmem>>
        %dma_wait3A_64 = tpu.memref_squeeze %dma_wait3A_63 : memref<1x128xi32, #tpu.memory_space<vmem>> -> memref<128xi32, #tpu.memory_space<vmem>>
        %dma_wait3A_65 = arith.constant 0 : i32
        %dma_wait3A_66 = arith.constant 0 : i32
        %dma_wait3A_67 = tpu.memref_slice %arg14[%dma_wait3A_65, %dma_wait3A_66] : memref<10112x128xf32, #tpu.memory_space<vmem_shared>> -> memref<10112x128xf32, #tpu.memory_space<vmem_shared>>
        tpu.wait_indirect_dma semaphore(%run_scoped3A : memref<!tpu.dma_semaphore, #tpu.memory_space<semaphore_mem>>) src(%arg11 : memref<128x128xf32, #tpu.memory_space<vmem>>) dst(%dma_wait3A_67 : memref<10112x128xf32, #tpu.memory_space<vmem_shared>>)
        tpu.yield
      }) : () -> ()
    }
    %scan3A_9 = arith.constant 79 : i32
    %barrier3A_10 = arith.constant 0 : index
    tpu.barrier barrier_id(%barrier3A_10)
    %mul3A_11 = arith.constant 632 : i32
    %mul3A_12 = arith.muli %arg1, %mul3A_11 : i32
    %mul3A_13 = arith.constant 632 : i32
    %mul3A_14 = arith.muli %arg1, %mul3A_13 : i32
    "tpu.region"() ({
      %run_scoped3A = tpu.sem_alloc : memref<!tpu.dma_semaphore, #tpu.memory_space<semaphore_mem>>
      %dma_start3A = arith.constant 0 : i32
      %dma_start3A_15 = tpu.memref_slice %arg7[%arg0, %mul3A_14, %dma_start3A] : memref<2x10112x128xf32, #tpu.memory_space<hbm>> -> memref<1x632x128xf32, #tpu.memory_space<hbm>>
      %dma_start3A_16 = tpu.memref_squeeze %dma_start3A_15 : memref<1x632x128xf32, #tpu.memory_space<hbm>> -> memref<632x128xf32, #tpu.memory_space<hbm>>
      %dma_start3A_17 = arith.constant 0 : i32
      %dma_start3A_18 = tpu.memref_slice %arg14[%mul3A_12, %dma_start3A_17] : memref<10112x128xf32, #tpu.memory_space<vmem_shared>> -> memref<632x128xf32, #tpu.memory_space<vmem_shared>>
      tpu.enqueue_dma source(%dma_start3A_18 : memref<632x128xf32, #tpu.memory_space<vmem_shared>>) target(%dma_start3A_16 : memref<632x128xf32, #tpu.memory_space<hbm>>) target_semaphore(%run_scoped3A : memref<!tpu.dma_semaphore, #tpu.memory_space<semaphore_mem>>)
      %dma_wait3A = arith.constant 0 : i32
      %dma_wait3A_19 = tpu.memref_slice %arg7[%arg0, %mul3A_14, %dma_wait3A] : memref<2x10112x128xf32, #tpu.memory_space<hbm>> -> memref<1x632x128xf32, #tpu.memory_space<hbm>>
      %dma_wait3A_20 = tpu.memref_squeeze %dma_wait3A_19 : memref<1x632x128xf32, #tpu.memory_space<hbm>> -> memref<632x128xf32, #tpu.memory_space<hbm>>
      %dma_wait3A_21 = arith.constant 0 : i32
      %dma_wait3A_22 = tpu.memref_slice %arg14[%mul3A_12, %dma_wait3A_21] : memref<10112x128xf32, #tpu.memory_space<vmem_shared>> -> memref<632x128xf32, #tpu.memory_space<vmem_shared>>
      tpu.wait_dma2 semaphore(%run_scoped3A : memref<!tpu.dma_semaphore, #tpu.memory_space<semaphore_mem>>) src(%dma_wait3A_22 : memref<632x128xf32, #tpu.memory_space<vmem_shared>>) dst(%dma_wait3A_20 : memref<632x128xf32, #tpu.memory_space<hbm>>)
      tpu.yield
    }) : () -> ()
    return
  }
}

#map = affine_map<(d0, d1) -> (0, 0, 0)>
#map1 = affine_map<(d0, d1) -> (0, 0)>
module attributes {stable_mosaic.version = 14 : i64} {
  func.func @spmm(%arg0: i32, %arg1: i32, %arg2: memref<32x79x128xi32, #tpu.memory_space<hbm>>, %arg3: memref<32x79x128xi32, #tpu.memory_space<hbm>>, %arg4: memref<32x79x128xf32, #tpu.memory_space<hbm>>, %arg5: memref<10112x128xf32, #tpu.memory_space<hbm>>, %arg6: memref<10112x128xf32, #tpu.memory_space<hbm>>, %arg7: memref<2x10112x128xf32, #tpu.memory_space<hbm>>, %arg8: memref<79x128xi32, #tpu.memory_space<vmem>>, %arg9: memref<79x128xi32, #tpu.memory_space<vmem>>, %arg10: memref<79x128xf32, #tpu.memory_space<vmem>>, %arg11: memref<128x128xf32, #tpu.memory_space<vmem>>, %arg12: memref<!tpu.dma_semaphore, #tpu.memory_space<semaphore_mem>>, %arg13: memref<!tpu.dma_semaphore, #tpu.memory_space<semaphore_mem>>, %arg14: memref<10112x128xf32, #tpu.memory_space<vmem_shared>>) attributes {dimension_semantics = [#tpu.dimension_semantics<core_parallel>, #tpu.dimension_semantics<subcore_parallel>], iteration_bounds = array<i64: 2, 16>, scalar_prefetch = 0 : i64, scratch_operands = 7 : i64, tpu.core_type = #tpu.core_type<sc_vector_subcore>, window_params = [{transform_indices = #map}, {transform_indices = #map}, {transform_indices = #map}, {transform_indices = #map1}, {transform_indices = #map1}, {transform_indices = #map}]} {
    %mul3A = arith.constant 2 : i32
    %mul3A_0 = arith.muli %arg1, %mul3A : i32
    %add3A = arith.addi %mul3A_0, %arg0 : i32
    "tpu.region"() ({
      %run_scoped3A = tpu.sem_alloc : memref<!tpu.dma_semaphore, #tpu.memory_space<semaphore_mem>>
      %dma_start3A = arith.constant 0 : i32
      %dma_start3A_15 = arith.constant 0 : i32
      %dma_start3A_16 = tpu.memref_slice %arg2[%add3A, %dma_start3A, %dma_start3A_15] : memref<32x79x128xi32, #tpu.memory_space<hbm>> -> memref<1x79x128xi32, #tpu.memory_space<hbm>>
      %dma_start3A_17 = tpu.memref_squeeze %dma_start3A_16 : memref<1x79x128xi32, #tpu.memory_space<hbm>> -> memref<79x128xi32, #tpu.memory_space<hbm>>
      %dma_start3A_18 = arith.constant 0 : i32
      %dma_start3A_19 = arith.constant 0 : i32
      %dma_start3A_20 = tpu.memref_slice %arg2[%add3A, %dma_start3A_18, %dma_start3A_19] : memref<32x79x128xi32, #tpu.memory_space<hbm>> -> memref<1x79x128xi32, #tpu.memory_space<hbm>>
      %dma_start3A_21 = tpu.memref_squeeze %dma_start3A_20 : memref<1x79x128xi32, #tpu.memory_space<hbm>> -> memref<79x128xi32, #tpu.memory_space<hbm>>
      tpu.enqueue_dma source(%dma_start3A_21 : memref<79x128xi32, #tpu.memory_space<hbm>>) target(%arg8 : memref<79x128xi32, #tpu.memory_space<vmem>>) target_semaphore(%run_scoped3A : memref<!tpu.dma_semaphore, #tpu.memory_space<semaphore_mem>>)
      %dma_wait3A = arith.constant 0 : i32
      %dma_wait3A_22 = arith.constant 0 : i32
      %dma_wait3A_23 = tpu.memref_slice %arg2[%add3A, %dma_wait3A, %dma_wait3A_22] : memref<32x79x128xi32, #tpu.memory_space<hbm>> -> memref<1x79x128xi32, #tpu.memory_space<hbm>>
      %dma_wait3A_24 = tpu.memref_squeeze %dma_wait3A_23 : memref<1x79x128xi32, #tpu.memory_space<hbm>> -> memref<79x128xi32, #tpu.memory_space<hbm>>
      %dma_wait3A_25 = arith.constant 0 : i32
      %dma_wait3A_26 = arith.constant 0 : i32
      %dma_wait3A_27 = tpu.memref_slice %arg2[%add3A, %dma_wait3A_25, %dma_wait3A_26] : memref<32x79x128xi32, #tpu.memory_space<hbm>> -> memref<1x79x128xi32, #tpu.memory_space<hbm>>
      %dma_wait3A_28 = tpu.memref_squeeze %dma_wait3A_27 : memref<1x79x128xi32, #tpu.memory_space<hbm>> -> memref<79x128xi32, #tpu.memory_space<hbm>>
      tpu.wait_dma2 semaphore(%run_scoped3A : memref<!tpu.dma_semaphore, #tpu.memory_space<semaphore_mem>>) src(%dma_wait3A_28 : memref<79x128xi32, #tpu.memory_space<hbm>>) dst(%arg8 : memref<79x128xi32, #tpu.memory_space<vmem>>)
      tpu.yield
    }) : () -> ()
    "tpu.region"() ({
      %run_scoped3A = tpu.sem_alloc : memref<!tpu.dma_semaphore, #tpu.memory_space<semaphore_mem>>
      %dma_start3A = arith.constant 0 : i32
      %dma_start3A_15 = arith.constant 0 : i32
      %dma_start3A_16 = tpu.memref_slice %arg3[%add3A, %dma_start3A, %dma_start3A_15] : memref<32x79x128xi32, #tpu.memory_space<hbm>> -> memref<1x79x128xi32, #tpu.memory_space<hbm>>
      %dma_start3A_17 = tpu.memref_squeeze %dma_start3A_16 : memref<1x79x128xi32, #tpu.memory_space<hbm>> -> memref<79x128xi32, #tpu.memory_space<hbm>>
      %dma_start3A_18 = arith.constant 0 : i32
      %dma_start3A_19 = arith.constant 0 : i32
      %dma_start3A_20 = tpu.memref_slice %arg3[%add3A, %dma_start3A_18, %dma_start3A_19] : memref<32x79x128xi32, #tpu.memory_space<hbm>> -> memref<1x79x128xi32, #tpu.memory_space<hbm>>
      %dma_start3A_21 = tpu.memref_squeeze %dma_start3A_20 : memref<1x79x128xi32, #tpu.memory_space<hbm>> -> memref<79x128xi32, #tpu.memory_space<hbm>>
      tpu.enqueue_dma source(%dma_start3A_21 : memref<79x128xi32, #tpu.memory_space<hbm>>) target(%arg9 : memref<79x128xi32, #tpu.memory_space<vmem>>) target_semaphore(%run_scoped3A : memref<!tpu.dma_semaphore, #tpu.memory_space<semaphore_mem>>)
      %dma_wait3A = arith.constant 0 : i32
      %dma_wait3A_22 = arith.constant 0 : i32
      %dma_wait3A_23 = tpu.memref_slice %arg3[%add3A, %dma_wait3A, %dma_wait3A_22] : memref<32x79x128xi32, #tpu.memory_space<hbm>> -> memref<1x79x128xi32, #tpu.memory_space<hbm>>
      %dma_wait3A_24 = tpu.memref_squeeze %dma_wait3A_23 : memref<1x79x128xi32, #tpu.memory_space<hbm>> -> memref<79x128xi32, #tpu.memory_space<hbm>>
      %dma_wait3A_25 = arith.constant 0 : i32
      %dma_wait3A_26 = arith.constant 0 : i32
      %dma_wait3A_27 = tpu.memref_slice %arg3[%add3A, %dma_wait3A_25, %dma_wait3A_26] : memref<32x79x128xi32, #tpu.memory_space<hbm>> -> memref<1x79x128xi32, #tpu.memory_space<hbm>>
      %dma_wait3A_28 = tpu.memref_squeeze %dma_wait3A_27 : memref<1x79x128xi32, #tpu.memory_space<hbm>> -> memref<79x128xi32, #tpu.memory_space<hbm>>
      tpu.wait_dma2 semaphore(%run_scoped3A : memref<!tpu.dma_semaphore, #tpu.memory_space<semaphore_mem>>) src(%dma_wait3A_28 : memref<79x128xi32, #tpu.memory_space<hbm>>) dst(%arg9 : memref<79x128xi32, #tpu.memory_space<vmem>>)
      tpu.yield
    }) : () -> ()
    "tpu.region"() ({
      %run_scoped3A = tpu.sem_alloc : memref<!tpu.dma_semaphore, #tpu.memory_space<semaphore_mem>>
      %dma_start3A = arith.constant 0 : i32
      %dma_start3A_15 = arith.constant 0 : i32
      %dma_start3A_16 = tpu.memref_slice %arg4[%add3A, %dma_start3A, %dma_start3A_15] : memref<32x79x128xf32, #tpu.memory_space<hbm>> -> memref<1x79x128xf32, #tpu.memory_space<hbm>>
      %dma_start3A_17 = tpu.memref_squeeze %dma_start3A_16 : memref<1x79x128xf32, #tpu.memory_space<hbm>> -> memref<79x128xf32, #tpu.memory_space<hbm>>
      %dma_start3A_18 = arith.constant 0 : i32
      %dma_start3A_19 = arith.constant 0 : i32
      %dma_start3A_20 = tpu.memref_slice %arg4[%add3A, %dma_start3A_18, %dma_start3A_19] : memref<32x79x128xf32, #tpu.memory_space<hbm>> -> memref<1x79x128xf32, #tpu.memory_space<hbm>>
      %dma_start3A_21 = tpu.memref_squeeze %dma_start3A_20 : memref<1x79x128xf32, #tpu.memory_space<hbm>> -> memref<79x128xf32, #tpu.memory_space<hbm>>
      tpu.enqueue_dma source(%dma_start3A_21 : memref<79x128xf32, #tpu.memory_space<hbm>>) target(%arg10 : memref<79x128xf32, #tpu.memory_space<vmem>>) target_semaphore(%run_scoped3A : memref<!tpu.dma_semaphore, #tpu.memory_space<semaphore_mem>>)
      %dma_wait3A = arith.constant 0 : i32
      %dma_wait3A_22 = arith.constant 0 : i32
      %dma_wait3A_23 = tpu.memref_slice %arg4[%add3A, %dma_wait3A, %dma_wait3A_22] : memref<32x79x128xf32, #tpu.memory_space<hbm>> -> memref<1x79x128xf32, #tpu.memory_space<hbm>>
      %dma_wait3A_24 = tpu.memref_squeeze %dma_wait3A_23 : memref<1x79x128xf32, #tpu.memory_space<hbm>> -> memref<79x128xf32, #tpu.memory_space<hbm>>
      %dma_wait3A_25 = arith.constant 0 : i32
      %dma_wait3A_26 = arith.constant 0 : i32
      %dma_wait3A_27 = tpu.memref_slice %arg4[%add3A, %dma_wait3A_25, %dma_wait3A_26] : memref<32x79x128xf32, #tpu.memory_space<hbm>> -> memref<1x79x128xf32, #tpu.memory_space<hbm>>
      %dma_wait3A_28 = tpu.memref_squeeze %dma_wait3A_27 : memref<1x79x128xf32, #tpu.memory_space<hbm>> -> memref<79x128xf32, #tpu.memory_space<hbm>>
      tpu.wait_dma2 semaphore(%run_scoped3A : memref<!tpu.dma_semaphore, #tpu.memory_space<semaphore_mem>>) src(%dma_wait3A_28 : memref<79x128xf32, #tpu.memory_space<hbm>>) dst(%arg10 : memref<79x128xf32, #tpu.memory_space<vmem>>)
      tpu.yield
    }) : () -> ()
    %mul3A_1 = arith.constant 632 : i32
    %mul3A_2 = arith.muli %arg1, %mul3A_1 : i32
    %mul3A_3 = arith.constant 632 : i32
    %mul3A_4 = arith.muli %arg1, %mul3A_3 : i32
    "tpu.region"() ({
      %run_scoped3A = tpu.sem_alloc : memref<!tpu.dma_semaphore, #tpu.memory_space<semaphore_mem>>
      %dma_start3A = arith.constant 0 : i32
      %dma_start3A_15 = tpu.memref_slice %arg14[%mul3A_4, %dma_start3A] : memref<10112x128xf32, #tpu.memory_space<vmem_shared>> -> memref<632x128xf32, #tpu.memory_space<vmem_shared>>
      %dma_start3A_16 = arith.constant 0 : i32
      %dma_start3A_17 = tpu.memref_slice %arg6[%mul3A_2, %dma_start3A_16] : memref<10112x128xf32, #tpu.memory_space<hbm>> -> memref<632x128xf32, #tpu.memory_space<hbm>>
      tpu.enqueue_dma source(%dma_start3A_17 : memref<632x128xf32, #tpu.memory_space<hbm>>) target(%dma_start3A_15 : memref<632x128xf32, #tpu.memory_space<vmem_shared>>) target_semaphore(%run_scoped3A : memref<!tpu.dma_semaphore, #tpu.memory_space<semaphore_mem>>)
      %dma_wait3A = arith.constant 0 : i32
      %dma_wait3A_18 = tpu.memref_slice %arg14[%mul3A_4, %dma_wait3A] : memref<10112x128xf32, #tpu.memory_space<vmem_shared>> -> memref<632x128xf32, #tpu.memory_space<vmem_shared>>
      %dma_wait3A_19 = arith.constant 0 : i32
      %dma_wait3A_20 = tpu.memref_slice %arg6[%mul3A_2, %dma_wait3A_19] : memref<10112x128xf32, #tpu.memory_space<hbm>> -> memref<632x128xf32, #tpu.memory_space<hbm>>
      tpu.wait_dma2 semaphore(%run_scoped3A : memref<!tpu.dma_semaphore, #tpu.memory_space<semaphore_mem>>) src(%dma_wait3A_20 : memref<632x128xf32, #tpu.memory_space<hbm>>) dst(%dma_wait3A_18 : memref<632x128xf32, #tpu.memory_space<vmem_shared>>)
      tpu.yield
    }) : () -> ()
    %barrier3A = arith.constant 0 : index
    tpu.barrier barrier_id(%barrier3A)
    %scan3A = arith.constant 0 : i32
    %scan3A_5 = arith.constant 0 : i32
    %scan3A_6 = arith.constant 79 : i32
    %scan3A_7 = arith.addi %scan3A_5, %scan3A_6 : i32
    %scan3A_8 = arith.constant 1 : i32
    scf.for %scan3A_15 = %scan3A_5 to %scan3A_7 step %scan3A_8  : i32 {
      %dma_start3A = arith.constant 0 : i32
      %dma_start3A_16 = arith.constant 0 : i32
      %dma_start3A_17 = tpu.memref_slice %arg11[%dma_start3A, %dma_start3A_16] : memref<128x128xf32, #tpu.memory_space<vmem>> -> memref<64x128xf32, #tpu.memory_space<vmem>>
      %dma_start3A_18 = arith.constant 0 : i32
      %dma_start3A_19 = tpu.memref_slice %arg9[%scan3A_15, %dma_start3A_18] : memref<79x128xi32, #tpu.memory_space<vmem>> -> memref<1x64xi32, #tpu.memory_space<vmem>>
      %dma_start3A_20 = tpu.memref_squeeze %dma_start3A_19 : memref<1x64xi32, #tpu.memory_space<vmem>> -> memref<64xi32, #tpu.memory_space<vmem>>
      %dma_start3A_21 = arith.constant 0 : i32
      %dma_start3A_22 = arith.constant 0 : i32
      %dma_start3A_23 = tpu.memref_slice %arg5[%dma_start3A_21, %dma_start3A_22] : memref<10112x128xf32, #tpu.memory_space<hbm>> -> memref<10112x128xf32, #tpu.memory_space<hbm>>
      tpu.enqueue_indirect_dma source(%dma_start3A_23 : memref<10112x128xf32, #tpu.memory_space<hbm>>) target(%dma_start3A_17 : memref<64x128xf32, #tpu.memory_space<vmem>>) offsets(%dma_start3A_20 : memref<64xi32, #tpu.memory_space<vmem>>) semaphore(%arg12 : memref<!tpu.dma_semaphore, #tpu.memory_space<semaphore_mem>>)
      %dma_start3A_24 = arith.constant 64 : i32
      %dma_start3A_25 = arith.constant 0 : i32
      %dma_start3A_26 = tpu.memref_slice %arg11[%dma_start3A_24, %dma_start3A_25] : memref<128x128xf32, #tpu.memory_space<vmem>> -> memref<64x128xf32, #tpu.memory_space<vmem>>
      %dma_start3A_27 = arith.constant 64 : i32
      %dma_start3A_28 = tpu.memref_slice %arg9[%scan3A_15, %dma_start3A_27] : memref<79x128xi32, #tpu.memory_space<vmem>> -> memref<1x64xi32, #tpu.memory_space<vmem>>
      %dma_start3A_29 = tpu.memref_squeeze %dma_start3A_28 : memref<1x64xi32, #tpu.memory_space<vmem>> -> memref<64xi32, #tpu.memory_space<vmem>>
      %dma_start3A_30 = arith.constant 0 : i32
      %dma_start3A_31 = arith.constant 0 : i32
      %dma_start3A_32 = tpu.memref_slice %arg5[%dma_start3A_30, %dma_start3A_31] : memref<10112x128xf32, #tpu.memory_space<hbm>> -> memref<10112x128xf32, #tpu.memory_space<hbm>>
      tpu.enqueue_indirect_dma source(%dma_start3A_32 : memref<10112x128xf32, #tpu.memory_space<hbm>>) target(%dma_start3A_26 : memref<64x128xf32, #tpu.memory_space<vmem>>) offsets(%dma_start3A_29 : memref<64xi32, #tpu.memory_space<vmem>>) semaphore(%arg13 : memref<!tpu.dma_semaphore, #tpu.memory_space<semaphore_mem>>)
      %dma_wait3A = arith.constant 0 : i32
      %dma_wait3A_33 = arith.constant 0 : i32
      %dma_wait3A_34 = tpu.memref_slice %arg11[%dma_wait3A, %dma_wait3A_33] : memref<128x128xf32, #tpu.memory_space<vmem>> -> memref<64x128xf32, #tpu.memory_space<vmem>>
      %dma_wait3A_35 = arith.constant 0 : i32
      %dma_wait3A_36 = tpu.memref_slice %arg9[%scan3A_15, %dma_wait3A_35] : memref<79x128xi32, #tpu.memory_space<vmem>> -> memref<1x64xi32, #tpu.memory_space<vmem>>
      %dma_wait3A_37 = tpu.memref_squeeze %dma_wait3A_36 : memref<1x64xi32, #tpu.memory_space<vmem>> -> memref<64xi32, #tpu.memory_space<vmem>>
      %dma_wait3A_38 = arith.constant 0 : i32
      %dma_wait3A_39 = arith.constant 0 : i32
      %dma_wait3A_40 = tpu.memref_slice %arg5[%dma_wait3A_38, %dma_wait3A_39] : memref<10112x128xf32, #tpu.memory_space<hbm>> -> memref<10112x128xf32, #tpu.memory_space<hbm>>
      tpu.wait_indirect_dma semaphore(%arg12 : memref<!tpu.dma_semaphore, #tpu.memory_space<semaphore_mem>>) src(%dma_wait3A_40 : memref<10112x128xf32, #tpu.memory_space<hbm>>) dst(%dma_wait3A_34 : memref<64x128xf32, #tpu.memory_space<vmem>>)
      %dma_wait3A_41 = arith.constant 64 : i32
      %dma_wait3A_42 = arith.constant 0 : i32
      %dma_wait3A_43 = tpu.memref_slice %arg11[%dma_wait3A_41, %dma_wait3A_42] : memref<128x128xf32, #tpu.memory_space<vmem>> -> memref<64x128xf32, #tpu.memory_space<vmem>>
      %dma_wait3A_44 = arith.constant 64 : i32
      %dma_wait3A_45 = tpu.memref_slice %arg9[%scan3A_15, %dma_wait3A_44] : memref<79x128xi32, #tpu.memory_space<vmem>> -> memref<1x64xi32, #tpu.memory_space<vmem>>
      %dma_wait3A_46 = tpu.memref_squeeze %dma_wait3A_45 : memref<1x64xi32, #tpu.memory_space<vmem>> -> memref<64xi32, #tpu.memory_space<vmem>>
      %dma_wait3A_47 = arith.constant 0 : i32
      %dma_wait3A_48 = arith.constant 0 : i32
      %dma_wait3A_49 = tpu.memref_slice %arg5[%dma_wait3A_47, %dma_wait3A_48] : memref<10112x128xf32, #tpu.memory_space<hbm>> -> memref<10112x128xf32, #tpu.memory_space<hbm>>
      tpu.wait_indirect_dma semaphore(%arg13 : memref<!tpu.dma_semaphore, #tpu.memory_space<semaphore_mem>>) src(%dma_wait3A_49 : memref<10112x128xf32, #tpu.memory_space<hbm>>) dst(%dma_wait3A_43 : memref<64x128xf32, #tpu.memory_space<vmem>>)
      %scan3A_50 = arith.constant 0 : i32
      %scan3A_51 = arith.constant 0 : i32
      %scan3A_52 = arith.constant 128 : i32
      %scan3A_53 = arith.addi %scan3A_51, %scan3A_52 : i32
      %scan3A_54 = arith.constant 2 : i32
      scf.for %scan3A_56 = %scan3A_51 to %scan3A_53 step %scan3A_54  : i32 {
        %broadcast_in_dim3A = vector.broadcast %scan3A_56 : i32 to vector<16xi32>
        %gather3A = arith.constant 0 : i32
        %gather3A_57 = tpu.memref_slice %arg10[%scan3A_15, %gather3A] : memref<79x128xf32, #tpu.memory_space<vmem>> -> memref<1x128xf32, #tpu.memory_space<vmem>>
        %gather3A_58 = tpu.memref_squeeze %gather3A_57 : memref<1x128xf32, #tpu.memory_space<vmem>> -> memref<128xf32, #tpu.memory_space<vmem>>
        %gather3A_59 = tpu.vector_load_idx %gather3A_58[%broadcast_in_dim3A] : memref<128xf32, #tpu.memory_space<vmem>>[vector<16xi32>], vector<16xf32>,
        %get3A = arith.index_cast %scan3A_56 : i32 to index
        %get3A_60 = arith.constant 0 : index
        %get3A_61 = tpu.vector_load %arg11[%get3A, %get3A_60] {strides = array<i32>} : memref<128x128xf32, #tpu.memory_space<vmem>>, vector<16xf32>,
        %mul3A_62 = arith.mulf %get3A_61, %gather3A_59 : vector<16xf32>
        %swap3A = arith.index_cast %scan3A_56 : i32 to index
        %swap3A_63 = arith.constant 0 : index
        %swap3A_64 = tpu.vector_load %arg11[%swap3A, %swap3A_63] {strides = array<i32>} : memref<128x128xf32, #tpu.memory_space<vmem>>, vector<16xf32>,
        tpu.vector_store %arg11[%swap3A, %swap3A_63], %mul3A_62 {strides = array<i32>} : memref<128x128xf32, #tpu.memory_space<vmem>>, vector<16xf32>,
        %get3A_65 = arith.index_cast %scan3A_56 : i32 to index
        %get3A_66 = arith.constant 16 : index
        %get3A_67 = tpu.vector_load %arg11[%get3A_65, %get3A_66] {strides = array<i32>} : memref<128x128xf32, #tpu.memory_space<vmem>>, vector<16xf32>,
        %mul3A_68 = arith.mulf %get3A_67, %gather3A_59 : vector<16xf32>
        %swap3A_69 = arith.index_cast %scan3A_56 : i32 to index
        %swap3A_70 = arith.constant 16 : index
        %swap3A_71 = tpu.vector_load %arg11[%swap3A_69, %swap3A_70] {strides = array<i32>} : memref<128x128xf32, #tpu.memory_space<vmem>>, vector<16xf32>,
        tpu.vector_store %arg11[%swap3A_69, %swap3A_70], %mul3A_68 {strides = array<i32>} : memref<128x128xf32, #tpu.memory_space<vmem>>, vector<16xf32>,
        %get3A_72 = arith.index_cast %scan3A_56 : i32 to index
        %get3A_73 = arith.constant 32 : index
        %get3A_74 = tpu.vector_load %arg11[%get3A_72, %get3A_73] {strides = array<i32>} : memref<128x128xf32, #tpu.memory_space<vmem>>, vector<16xf32>,
        %mul3A_75 = arith.mulf %get3A_74, %gather3A_59 : vector<16xf32>
        %swap3A_76 = arith.index_cast %scan3A_56 : i32 to index
        %swap3A_77 = arith.constant 32 : index
        %swap3A_78 = tpu.vector_load %arg11[%swap3A_76, %swap3A_77] {strides = array<i32>} : memref<128x128xf32, #tpu.memory_space<vmem>>, vector<16xf32>,
        tpu.vector_store %arg11[%swap3A_76, %swap3A_77], %mul3A_75 {strides = array<i32>} : memref<128x128xf32, #tpu.memory_space<vmem>>, vector<16xf32>,
        %get3A_79 = arith.index_cast %scan3A_56 : i32 to index
        %get3A_80 = arith.constant 48 : index
        %get3A_81 = tpu.vector_load %arg11[%get3A_79, %get3A_80] {strides = array<i32>} : memref<128x128xf32, #tpu.memory_space<vmem>>, vector<16xf32>,
        %mul3A_82 = arith.mulf %get3A_81, %gather3A_59 : vector<16xf32>
        %swap3A_83 = arith.index_cast %scan3A_56 : i32 to index
        %swap3A_84 = arith.constant 48 : index
        %swap3A_85 = tpu.vector_load %arg11[%swap3A_83, %swap3A_84] {strides = array<i32>} : memref<128x128xf32, #tpu.memory_space<vmem>>, vector<16xf32>,
        tpu.vector_store %arg11[%swap3A_83, %swap3A_84], %mul3A_82 {strides = array<i32>} : memref<128x128xf32, #tpu.memory_space<vmem>>, vector<16xf32>,
        %get3A_86 = arith.index_cast %scan3A_56 : i32 to index
        %get3A_87 = arith.constant 64 : index
        %get3A_88 = tpu.vector_load %arg11[%get3A_86, %get3A_87] {strides = array<i32>} : memref<128x128xf32, #tpu.memory_space<vmem>>, vector<16xf32>,
        %mul3A_89 = arith.mulf %get3A_88, %gather3A_59 : vector<16xf32>
        %swap3A_90 = arith.index_cast %scan3A_56 : i32 to index
        %swap3A_91 = arith.constant 64 : index
        %swap3A_92 = tpu.vector_load %arg11[%swap3A_90, %swap3A_91] {strides = array<i32>} : memref<128x128xf32, #tpu.memory_space<vmem>>, vector<16xf32>,
        tpu.vector_store %arg11[%swap3A_90, %swap3A_91], %mul3A_89 {strides = array<i32>} : memref<128x128xf32, #tpu.memory_space<vmem>>, vector<16xf32>,
        %get3A_93 = arith.index_cast %scan3A_56 : i32 to index
        %get3A_94 = arith.constant 80 : index
        %get3A_95 = tpu.vector_load %arg11[%get3A_93, %get3A_94] {strides = array<i32>} : memref<128x128xf32, #tpu.memory_space<vmem>>, vector<16xf32>,
        %mul3A_96 = arith.mulf %get3A_95, %gather3A_59 : vector<16xf32>
        %swap3A_97 = arith.index_cast %scan3A_56 : i32 to index
        %swap3A_98 = arith.constant 80 : index
        %swap3A_99 = tpu.vector_load %arg11[%swap3A_97, %swap3A_98] {strides = array<i32>} : memref<128x128xf32, #tpu.memory_space<vmem>>, vector<16xf32>,
        tpu.vector_store %arg11[%swap3A_97, %swap3A_98], %mul3A_96 {strides = array<i32>} : memref<128x128xf32, #tpu.memory_space<vmem>>, vector<16xf32>,
        %get3A_100 = arith.index_cast %scan3A_56 : i32 to index
        %get3A_101 = arith.constant 96 : index
        %get3A_102 = tpu.vector_load %arg11[%get3A_100, %get3A_101] {strides = array<i32>} : memref<128x128xf32, #tpu.memory_space<vmem>>, vector<16xf32>,
        %mul3A_103 = arith.mulf %get3A_102, %gather3A_59 : vector<16xf32>
        %swap3A_104 = arith.index_cast %scan3A_56 : i32 to index
        %swap3A_105 = arith.constant 96 : index
        %swap3A_106 = tpu.vector_load %arg11[%swap3A_104, %swap3A_105] {strides = array<i32>} : memref<128x128xf32, #tpu.memory_space<vmem>>, vector<16xf32>,
        tpu.vector_store %arg11[%swap3A_104, %swap3A_105], %mul3A_103 {strides = array<i32>} : memref<128x128xf32, #tpu.memory_space<vmem>>, vector<16xf32>,
        %get3A_107 = arith.index_cast %scan3A_56 : i32 to index
        %get3A_108 = arith.constant 112 : index
        %get3A_109 = tpu.vector_load %arg11[%get3A_107, %get3A_108] {strides = array<i32>} : memref<128x128xf32, #tpu.memory_space<vmem>>, vector<16xf32>,
        %mul3A_110 = arith.mulf %get3A_109, %gather3A_59 : vector<16xf32>
        %swap3A_111 = arith.index_cast %scan3A_56 : i32 to index
        %swap3A_112 = arith.constant 112 : index
        %swap3A_113 = tpu.vector_load %arg11[%swap3A_111, %swap3A_112] {strides = array<i32>} : memref<128x128xf32, #tpu.memory_space<vmem>>, vector<16xf32>,
        tpu.vector_store %arg11[%swap3A_111, %swap3A_112], %mul3A_110 {strides = array<i32>} : memref<128x128xf32, #tpu.memory_space<vmem>>, vector<16xf32>,
        %scan3A_114 = arith.constant 1 : i32
        %scan3A_115 = arith.addi %scan3A_56, %scan3A_114 : i32
        %broadcast_in_dim3A_116 = vector.broadcast %scan3A_115 : i32 to vector<16xi32>
        %gather3A_117 = arith.constant 0 : i32
        %gather3A_118 = tpu.memref_slice %arg10[%scan3A_15, %gather3A_117] : memref<79x128xf32, #tpu.memory_space<vmem>> -> memref<1x128xf32, #tpu.memory_space<vmem>>
        %gather3A_119 = tpu.memref_squeeze %gather3A_118 : memref<1x128xf32, #tpu.memory_space<vmem>> -> memref<128xf32, #tpu.memory_space<vmem>>
        %gather3A_120 = tpu.vector_load_idx %gather3A_119[%broadcast_in_dim3A_116] : memref<128xf32, #tpu.memory_space<vmem>>[vector<16xi32>], vector<16xf32>,
        %get3A_121 = arith.index_cast %scan3A_115 : i32 to index
        %get3A_122 = arith.constant 0 : index
        %get3A_123 = tpu.vector_load %arg11[%get3A_121, %get3A_122] {strides = array<i32>} : memref<128x128xf32, #tpu.memory_space<vmem>>, vector<16xf32>,
        %mul3A_124 = arith.mulf %get3A_123, %gather3A_120 : vector<16xf32>
        %swap3A_125 = arith.index_cast %scan3A_115 : i32 to index
        %swap3A_126 = arith.constant 0 : index
        %swap3A_127 = tpu.vector_load %arg11[%swap3A_125, %swap3A_126] {strides = array<i32>} : memref<128x128xf32, #tpu.memory_space<vmem>>, vector<16xf32>,
        tpu.vector_store %arg11[%swap3A_125, %swap3A_126], %mul3A_124 {strides = array<i32>} : memref<128x128xf32, #tpu.memory_space<vmem>>, vector<16xf32>,
        %get3A_128 = arith.index_cast %scan3A_115 : i32 to index
        %get3A_129 = arith.constant 16 : index
        %get3A_130 = tpu.vector_load %arg11[%get3A_128, %get3A_129] {strides = array<i32>} : memref<128x128xf32, #tpu.memory_space<vmem>>, vector<16xf32>,
        %mul3A_131 = arith.mulf %get3A_130, %gather3A_120 : vector<16xf32>
        %swap3A_132 = arith.index_cast %scan3A_115 : i32 to index
        %swap3A_133 = arith.constant 16 : index
        %swap3A_134 = tpu.vector_load %arg11[%swap3A_132, %swap3A_133] {strides = array<i32>} : memref<128x128xf32, #tpu.memory_space<vmem>>, vector<16xf32>,
        tpu.vector_store %arg11[%swap3A_132, %swap3A_133], %mul3A_131 {strides = array<i32>} : memref<128x128xf32, #tpu.memory_space<vmem>>, vector<16xf32>,
        %get3A_135 = arith.index_cast %scan3A_115 : i32 to index
        %get3A_136 = arith.constant 32 : index
        %get3A_137 = tpu.vector_load %arg11[%get3A_135, %get3A_136] {strides = array<i32>} : memref<128x128xf32, #tpu.memory_space<vmem>>, vector<16xf32>,
        %mul3A_138 = arith.mulf %get3A_137, %gather3A_120 : vector<16xf32>
        %swap3A_139 = arith.index_cast %scan3A_115 : i32 to index
        %swap3A_140 = arith.constant 32 : index
        %swap3A_141 = tpu.vector_load %arg11[%swap3A_139, %swap3A_140] {strides = array<i32>} : memref<128x128xf32, #tpu.memory_space<vmem>>, vector<16xf32>,
        tpu.vector_store %arg11[%swap3A_139, %swap3A_140], %mul3A_138 {strides = array<i32>} : memref<128x128xf32, #tpu.memory_space<vmem>>, vector<16xf32>,
        %get3A_142 = arith.index_cast %scan3A_115 : i32 to index
        %get3A_143 = arith.constant 48 : index
        %get3A_144 = tpu.vector_load %arg11[%get3A_142, %get3A_143] {strides = array<i32>} : memref<128x128xf32, #tpu.memory_space<vmem>>, vector<16xf32>,
        %mul3A_145 = arith.mulf %get3A_144, %gather3A_120 : vector<16xf32>
        %swap3A_146 = arith.index_cast %scan3A_115 : i32 to index
        %swap3A_147 = arith.constant 48 : index
        %swap3A_148 = tpu.vector_load %arg11[%swap3A_146, %swap3A_147] {strides = array<i32>} : memref<128x128xf32, #tpu.memory_space<vmem>>, vector<16xf32>,
        tpu.vector_store %arg11[%swap3A_146, %swap3A_147], %mul3A_145 {strides = array<i32>} : memref<128x128xf32, #tpu.memory_space<vmem>>, vector<16xf32>,
        %get3A_149 = arith.index_cast %scan3A_115 : i32 to index
        %get3A_150 = arith.constant 64 : index
        %get3A_151 = tpu.vector_load %arg11[%get3A_149, %get3A_150] {strides = array<i32>} : memref<128x128xf32, #tpu.memory_space<vmem>>, vector<16xf32>,
        %mul3A_152 = arith.mulf %get3A_151, %gather3A_120 : vector<16xf32>
        %swap3A_153 = arith.index_cast %scan3A_115 : i32 to index
        %swap3A_154 = arith.constant 64 : index
        %swap3A_155 = tpu.vector_load %arg11[%swap3A_153, %swap3A_154] {strides = array<i32>} : memref<128x128xf32, #tpu.memory_space<vmem>>, vector<16xf32>,
        tpu.vector_store %arg11[%swap3A_153, %swap3A_154], %mul3A_152 {strides = array<i32>} : memref<128x128xf32, #tpu.memory_space<vmem>>, vector<16xf32>,
        %get3A_156 = arith.index_cast %scan3A_115 : i32 to index
        %get3A_157 = arith.constant 80 : index
        %get3A_158 = tpu.vector_load %arg11[%get3A_156, %get3A_157] {strides = array<i32>} : memref<128x128xf32, #tpu.memory_space<vmem>>, vector<16xf32>,
        %mul3A_159 = arith.mulf %get3A_158, %gather3A_120 : vector<16xf32>
        %swap3A_160 = arith.index_cast %scan3A_115 : i32 to index
        %swap3A_161 = arith.constant 80 : index
        %swap3A_162 = tpu.vector_load %arg11[%swap3A_160, %swap3A_161] {strides = array<i32>} : memref<128x128xf32, #tpu.memory_space<vmem>>, vector<16xf32>,
        tpu.vector_store %arg11[%swap3A_160, %swap3A_161], %mul3A_159 {strides = array<i32>} : memref<128x128xf32, #tpu.memory_space<vmem>>, vector<16xf32>,
        %get3A_163 = arith.index_cast %scan3A_115 : i32 to index
        %get3A_164 = arith.constant 96 : index
        %get3A_165 = tpu.vector_load %arg11[%get3A_163, %get3A_164] {strides = array<i32>} : memref<128x128xf32, #tpu.memory_space<vmem>>, vector<16xf32>,
        %mul3A_166 = arith.mulf %get3A_165, %gather3A_120 : vector<16xf32>
        %swap3A_167 = arith.index_cast %scan3A_115 : i32 to index
        %swap3A_168 = arith.constant 96 : index
        %swap3A_169 = tpu.vector_load %arg11[%swap3A_167, %swap3A_168] {strides = array<i32>} : memref<128x128xf32, #tpu.memory_space<vmem>>, vector<16xf32>,
        tpu.vector_store %arg11[%swap3A_167, %swap3A_168], %mul3A_166 {strides = array<i32>} : memref<128x128xf32, #tpu.memory_space<vmem>>, vector<16xf32>,
        %get3A_170 = arith.index_cast %scan3A_115 : i32 to index
        %get3A_171 = arith.constant 112 : index
        %get3A_172 = tpu.vector_load %arg11[%get3A_170, %get3A_171] {strides = array<i32>} : memref<128x128xf32, #tpu.memory_space<vmem>>, vector<16xf32>,
        %mul3A_173 = arith.mulf %get3A_172, %gather3A_120 : vector<16xf32>
        %swap3A_174 = arith.index_cast %scan3A_115 : i32 to index
        %swap3A_175 = arith.constant 112 : index
        %swap3A_176 = tpu.vector_load %arg11[%swap3A_174, %swap3A_175] {strides = array<i32>} : memref<128x128xf32, #tpu.memory_space<vmem>>, vector<16xf32>,
        tpu.vector_store %arg11[%swap3A_174, %swap3A_175], %mul3A_173 {strides = array<i32>} : memref<128x128xf32, #tpu.memory_space<vmem>>, vector<16xf32>,
      }
      %scan3A_55 = arith.constant 128 : i32
      "tpu.region"() ({
        %run_scoped3A = tpu.sem_alloc : memref<!tpu.dma_semaphore, #tpu.memory_space<semaphore_mem>>
        %dma_start3A_56 = arith.constant 0 : i32
        %dma_start3A_57 = tpu.memref_slice %arg8[%scan3A_15, %dma_start3A_56] : memref<79x128xi32, #tpu.memory_space<vmem>> -> memref<1x128xi32, #tpu.memory_space<vmem>>
        %dma_start3A_58 = tpu.memref_squeeze %dma_start3A_57 : memref<1x128xi32, #tpu.memory_space<vmem>> -> memref<128xi32, #tpu.memory_space<vmem>>
        %dma_start3A_59 = arith.constant 0 : i32
        %dma_start3A_60 = arith.constant 0 : i32
        %dma_start3A_61 = tpu.memref_slice %arg14[%dma_start3A_59, %dma_start3A_60] : memref<10112x128xf32, #tpu.memory_space<vmem_shared>> -> memref<10112x128xf32, #tpu.memory_space<vmem_shared>>
        tpu.enqueue_indirect_dma source(%arg11 : memref<128x128xf32, #tpu.memory_space<vmem>>) target(%dma_start3A_61 : memref<10112x128xf32, #tpu.memory_space<vmem_shared>>) offsets(%dma_start3A_58 : memref<128xi32, #tpu.memory_space<vmem>>) semaphore(%run_scoped3A : memref<!tpu.dma_semaphore, #tpu.memory_space<semaphore_mem>>) {add = true}
        %dma_wait3A_62 = arith.constant 0 : i32
        %dma_wait3A_63 = tpu.memref_slice %arg8[%scan3A_15, %dma_wait3A_62] : memref<79x128xi32, #tpu.memory_space<vmem>> -> memref<1x128xi32, #tpu.memory_space<vmem>>
        %dma_wait3A_64 = tpu.memref_squeeze %dma_wait3A_63 : memref<1x128xi32, #tpu.memory_space<vmem>> -> memref<128xi32, #tpu.memory_space<vmem>>
        %dma_wait3A_65 = arith.constant 0 : i32
        %dma_wait3A_66 = arith.constant 0 : i32
        %dma_wait3A_67 = tpu.memref_slice %arg14[%dma_wait3A_65, %dma_wait3A_66] : memref<10112x128xf32, #tpu.memory_space<vmem_shared>> -> memref<10112x128xf32, #tpu.memory_space<vmem_shared>>
        tpu.wait_indirect_dma semaphore(%run_scoped3A : memref<!tpu.dma_semaphore, #tpu.memory_space<semaphore_mem>>) src(%arg11 : memref<128x128xf32, #tpu.memory_space<vmem>>) dst(%dma_wait3A_67 : memref<10112x128xf32, #tpu.memory_space<vmem_shared>>)
        tpu.yield
      }) : () -> ()
    }
    %scan3A_9 = arith.constant 79 : i32
    %barrier3A_10 = arith.constant 0 : index
    tpu.barrier barrier_id(%barrier3A_10)
    %mul3A_11 = arith.constant 632 : i32
    %mul3A_12 = arith.muli %arg1, %mul3A_11 : i32
    %mul3A_13 = arith.constant 632 : i32
    %mul3A_14 = arith.muli %arg1, %mul3A_13 : i32
    "tpu.region"() ({
      %run_scoped3A = tpu.sem_alloc : memref<!tpu.dma_semaphore, #tpu.memory_space<semaphore_mem>>
      %dma_start3A = arith.constant 0 : i32
      %dma_start3A_15 = tpu.memref_slice %arg7[%arg0, %mul3A_14, %dma_start3A] : memref<2x10112x128xf32, #tpu.memory_space<hbm>> -> memref<1x632x128xf32, #tpu.memory_space<hbm>>
      %dma_start3A_16 = tpu.memref_squeeze %dma_start3A_15 : memref<1x632x128xf32, #tpu.memory_space<hbm>> -> memref<632x128xf32, #tpu.memory_space<hbm>>
      %dma_start3A_17 = arith.constant 0 : i32
      %dma_start3A_18 = tpu.memref_slice %arg14[%mul3A_12, %dma_start3A_17] : memref<10112x128xf32, #tpu.memory_space<vmem_shared>> -> memref<632x128xf32, #tpu.memory_space<vmem_shared>>
      tpu.enqueue_dma source(%dma_start3A_18 : memref<632x128xf32, #tpu.memory_space<vmem_shared>>) target(%dma_start3A_16 : memref<632x128xf32, #tpu.memory_space<hbm>>) target_semaphore(%run_scoped3A : memref<!tpu.dma_semaphore, #tpu.memory_space<semaphore_mem>>)
      %dma_wait3A = arith.constant 0 : i32
      %dma_wait3A_19 = tpu.memref_slice %arg7[%arg0, %mul3A_14, %dma_wait3A] : memref<2x10112x128xf32, #tpu.memory_space<hbm>> -> memref<1x632x128xf32, #tpu.memory_space<hbm>>
      %dma_wait3A_20 = tpu.memref_squeeze %dma_wait3A_19 : memref<1x632x128xf32, #tpu.memory_space<hbm>> -> memref<632x128xf32, #tpu.memory_space<hbm>>
      %dma_wait3A_21 = arith.constant 0 : i32
      %dma_wait3A_22 = tpu.memref_slice %arg14[%mul3A_12, %dma_wait3A_21] : memref<10112x128xf32, #tpu.memory_space<vmem_shared>> -> memref<632x128xf32, #tpu.memory_space<vmem_shared>>
      tpu.wait_dma2 semaphore(%run_scoped3A : memref<!tpu.dma_semaphore, #tpu.memory_space<semaphore_mem>>) src(%dma_wait3A_22 : memref<632x128xf32, #tpu.memory_space<vmem_shared>>) dst(%dma_wait3A_20 : memref<632x128xf32, #tpu.memory_space<hbm>>)
      tpu.yield
    }) : () -> ()
    return
  }
}

#map = affine_map<(d0, d1) -> (0, 0, 0)>
#map1 = affine_map<(d0, d1) -> (0, 0)>
module attributes {stable_mosaic.version = 14 : i64} {
  func.func @spmm(%arg0: i32, %arg1: i32, %arg2: memref<32x79x128xi32, #tpu.memory_space<hbm>>, %arg3: memref<32x79x128xi32, #tpu.memory_space<hbm>>, %arg4: memref<32x79x128xf32, #tpu.memory_space<hbm>>, %arg5: memref<10112x128xf32, #tpu.memory_space<hbm>>, %arg6: memref<10112x128xf32, #tpu.memory_space<hbm>>, %arg7: memref<2x10112x128xf32, #tpu.memory_space<hbm>>, %arg8: memref<79x128xi32, #tpu.memory_space<vmem>>, %arg9: memref<79x128xi32, #tpu.memory_space<vmem>>, %arg10: memref<79x128xf32, #tpu.memory_space<vmem>>, %arg11: memref<128x128xf32, #tpu.memory_space<vmem>>, %arg12: memref<!tpu.dma_semaphore, #tpu.memory_space<semaphore_mem>>, %arg13: memref<!tpu.dma_semaphore, #tpu.memory_space<semaphore_mem>>, %arg14: memref<10112x128xf32, #tpu.memory_space<vmem_shared>>) attributes {dimension_semantics = [#tpu.dimension_semantics<core_parallel>, #tpu.dimension_semantics<subcore_parallel>], iteration_bounds = array<i64: 2, 16>, scalar_prefetch = 0 : i64, scratch_operands = 7 : i64, tpu.core_type = #tpu.core_type<sc_vector_subcore>, window_params = [{transform_indices = #map}, {transform_indices = #map}, {transform_indices = #map}, {transform_indices = #map1}, {transform_indices = #map1}, {transform_indices = #map}]} {
    %mul3A = arith.constant 2 : i32
    %mul3A_0 = arith.muli %arg1, %mul3A : i32
    %add3A = arith.addi %mul3A_0, %arg0 : i32
    "tpu.region"() ({
      %run_scoped3A = tpu.sem_alloc : memref<!tpu.dma_semaphore, #tpu.memory_space<semaphore_mem>>
      %dma_start3A = arith.constant 0 : i32
      %dma_start3A_15 = arith.constant 0 : i32
      %dma_start3A_16 = tpu.memref_slice %arg2[%add3A, %dma_start3A, %dma_start3A_15] : memref<32x79x128xi32, #tpu.memory_space<hbm>> -> memref<1x79x128xi32, #tpu.memory_space<hbm>>
      %dma_start3A_17 = tpu.memref_squeeze %dma_start3A_16 : memref<1x79x128xi32, #tpu.memory_space<hbm>> -> memref<79x128xi32, #tpu.memory_space<hbm>>
      %dma_start3A_18 = arith.constant 0 : i32
      %dma_start3A_19 = arith.constant 0 : i32
      %dma_start3A_20 = tpu.memref_slice %arg2[%add3A, %dma_start3A_18, %dma_start3A_19] : memref<32x79x128xi32, #tpu.memory_space<hbm>> -> memref<1x79x128xi32, #tpu.memory_space<hbm>>
      %dma_start3A_21 = tpu.memref_squeeze %dma_start3A_20 : memref<1x79x128xi32, #tpu.memory_space<hbm>> -> memref<79x128xi32, #tpu.memory_space<hbm>>
      tpu.enqueue_dma source(%dma_start3A_21 : memref<79x128xi32, #tpu.memory_space<hbm>>) target(%arg8 : memref<79x128xi32, #tpu.memory_space<vmem>>) target_semaphore(%run_scoped3A : memref<!tpu.dma_semaphore, #tpu.memory_space<semaphore_mem>>)
      %dma_wait3A = arith.constant 0 : i32
      %dma_wait3A_22 = arith.constant 0 : i32
      %dma_wait3A_23 = tpu.memref_slice %arg2[%add3A, %dma_wait3A, %dma_wait3A_22] : memref<32x79x128xi32, #tpu.memory_space<hbm>> -> memref<1x79x128xi32, #tpu.memory_space<hbm>>
      %dma_wait3A_24 = tpu.memref_squeeze %dma_wait3A_23 : memref<1x79x128xi32, #tpu.memory_space<hbm>> -> memref<79x128xi32, #tpu.memory_space<hbm>>
      %dma_wait3A_25 = arith.constant 0 : i32
      %dma_wait3A_26 = arith.constant 0 : i32
      %dma_wait3A_27 = tpu.memref_slice %arg2[%add3A, %dma_wait3A_25, %dma_wait3A_26] : memref<32x79x128xi32, #tpu.memory_space<hbm>> -> memref<1x79x128xi32, #tpu.memory_space<hbm>>
      %dma_wait3A_28 = tpu.memref_squeeze %dma_wait3A_27 : memref<1x79x128xi32, #tpu.memory_space<hbm>> -> memref<79x128xi32, #tpu.memory_space<hbm>>
      tpu.wait_dma2 semaphore(%run_scoped3A : memref<!tpu.dma_semaphore, #tpu.memory_space<semaphore_mem>>) src(%dma_wait3A_28 : memref<79x128xi32, #tpu.memory_space<hbm>>) dst(%arg8 : memref<79x128xi32, #tpu.memory_space<vmem>>)
      tpu.yield
    }) : () -> ()
    "tpu.region"() ({
      %run_scoped3A = tpu.sem_alloc : memref<!tpu.dma_semaphore, #tpu.memory_space<semaphore_mem>>
      %dma_start3A = arith.constant 0 : i32
      %dma_start3A_15 = arith.constant 0 : i32
      %dma_start3A_16 = tpu.memref_slice %arg3[%add3A, %dma_start3A, %dma_start3A_15] : memref<32x79x128xi32, #tpu.memory_space<hbm>> -> memref<1x79x128xi32, #tpu.memory_space<hbm>>
      %dma_start3A_17 = tpu.memref_squeeze %dma_start3A_16 : memref<1x79x128xi32, #tpu.memory_space<hbm>> -> memref<79x128xi32, #tpu.memory_space<hbm>>
      %dma_start3A_18 = arith.constant 0 : i32
      %dma_start3A_19 = arith.constant 0 : i32
      %dma_start3A_20 = tpu.memref_slice %arg3[%add3A, %dma_start3A_18, %dma_start3A_19] : memref<32x79x128xi32, #tpu.memory_space<hbm>> -> memref<1x79x128xi32, #tpu.memory_space<hbm>>
      %dma_start3A_21 = tpu.memref_squeeze %dma_start3A_20 : memref<1x79x128xi32, #tpu.memory_space<hbm>> -> memref<79x128xi32, #tpu.memory_space<hbm>>
      tpu.enqueue_dma source(%dma_start3A_21 : memref<79x128xi32, #tpu.memory_space<hbm>>) target(%arg9 : memref<79x128xi32, #tpu.memory_space<vmem>>) target_semaphore(%run_scoped3A : memref<!tpu.dma_semaphore, #tpu.memory_space<semaphore_mem>>)
      %dma_wait3A = arith.constant 0 : i32
      %dma_wait3A_22 = arith.constant 0 : i32
      %dma_wait3A_23 = tpu.memref_slice %arg3[%add3A, %dma_wait3A, %dma_wait3A_22] : memref<32x79x128xi32, #tpu.memory_space<hbm>> -> memref<1x79x128xi32, #tpu.memory_space<hbm>>
      %dma_wait3A_24 = tpu.memref_squeeze %dma_wait3A_23 : memref<1x79x128xi32, #tpu.memory_space<hbm>> -> memref<79x128xi32, #tpu.memory_space<hbm>>
      %dma_wait3A_25 = arith.constant 0 : i32
      %dma_wait3A_26 = arith.constant 0 : i32
      %dma_wait3A_27 = tpu.memref_slice %arg3[%add3A, %dma_wait3A_25, %dma_wait3A_26] : memref<32x79x128xi32, #tpu.memory_space<hbm>> -> memref<1x79x128xi32, #tpu.memory_space<hbm>>
      %dma_wait3A_28 = tpu.memref_squeeze %dma_wait3A_27 : memref<1x79x128xi32, #tpu.memory_space<hbm>> -> memref<79x128xi32, #tpu.memory_space<hbm>>
      tpu.wait_dma2 semaphore(%run_scoped3A : memref<!tpu.dma_semaphore, #tpu.memory_space<semaphore_mem>>) src(%dma_wait3A_28 : memref<79x128xi32, #tpu.memory_space<hbm>>) dst(%arg9 : memref<79x128xi32, #tpu.memory_space<vmem>>)
      tpu.yield
    }) : () -> ()
    "tpu.region"() ({
      %run_scoped3A = tpu.sem_alloc : memref<!tpu.dma_semaphore, #tpu.memory_space<semaphore_mem>>
      %dma_start3A = arith.constant 0 : i32
      %dma_start3A_15 = arith.constant 0 : i32
      %dma_start3A_16 = tpu.memref_slice %arg4[%add3A, %dma_start3A, %dma_start3A_15] : memref<32x79x128xf32, #tpu.memory_space<hbm>> -> memref<1x79x128xf32, #tpu.memory_space<hbm>>
      %dma_start3A_17 = tpu.memref_squeeze %dma_start3A_16 : memref<1x79x128xf32, #tpu.memory_space<hbm>> -> memref<79x128xf32, #tpu.memory_space<hbm>>
      %dma_start3A_18 = arith.constant 0 : i32
      %dma_start3A_19 = arith.constant 0 : i32
      %dma_start3A_20 = tpu.memref_slice %arg4[%add3A, %dma_start3A_18, %dma_start3A_19] : memref<32x79x128xf32, #tpu.memory_space<hbm>> -> memref<1x79x128xf32, #tpu.memory_space<hbm>>
      %dma_start3A_21 = tpu.memref_squeeze %dma_start3A_20 : memref<1x79x128xf32, #tpu.memory_space<hbm>> -> memref<79x128xf32, #tpu.memory_space<hbm>>
      tpu.enqueue_dma source(%dma_start3A_21 : memref<79x128xf32, #tpu.memory_space<hbm>>) target(%arg10 : memref<79x128xf32, #tpu.memory_space<vmem>>) target_semaphore(%run_scoped3A : memref<!tpu.dma_semaphore, #tpu.memory_space<semaphore_mem>>)
      %dma_wait3A = arith.constant 0 : i32
      %dma_wait3A_22 = arith.constant 0 : i32
      %dma_wait3A_23 = tpu.memref_slice %arg4[%add3A, %dma_wait3A, %dma_wait3A_22] : memref<32x79x128xf32, #tpu.memory_space<hbm>> -> memref<1x79x128xf32, #tpu.memory_space<hbm>>
      %dma_wait3A_24 = tpu.memref_squeeze %dma_wait3A_23 : memref<1x79x128xf32, #tpu.memory_space<hbm>> -> memref<79x128xf32, #tpu.memory_space<hbm>>
      %dma_wait3A_25 = arith.constant 0 : i32
      %dma_wait3A_26 = arith.constant 0 : i32
      %dma_wait3A_27 = tpu.memref_slice %arg4[%add3A, %dma_wait3A_25, %dma_wait3A_26] : memref<32x79x128xf32, #tpu.memory_space<hbm>> -> memref<1x79x128xf32, #tpu.memory_space<hbm>>
      %dma_wait3A_28 = tpu.memref_squeeze %dma_wait3A_27 : memref<1x79x128xf32, #tpu.memory_space<hbm>> -> memref<79x128xf32, #tpu.memory_space<hbm>>
      tpu.wait_dma2 semaphore(%run_scoped3A : memref<!tpu.dma_semaphore, #tpu.memory_space<semaphore_mem>>) src(%dma_wait3A_28 : memref<79x128xf32, #tpu.memory_space<hbm>>) dst(%arg10 : memref<79x128xf32, #tpu.memory_space<vmem>>)
      tpu.yield
    }) : () -> ()
    %mul3A_1 = arith.constant 632 : i32
    %mul3A_2 = arith.muli %arg1, %mul3A_1 : i32
    %mul3A_3 = arith.constant 632 : i32
    %mul3A_4 = arith.muli %arg1, %mul3A_3 : i32
    "tpu.region"() ({
      %run_scoped3A = tpu.sem_alloc : memref<!tpu.dma_semaphore, #tpu.memory_space<semaphore_mem>>
      %dma_start3A = arith.constant 0 : i32
      %dma_start3A_15 = tpu.memref_slice %arg14[%mul3A_4, %dma_start3A] : memref<10112x128xf32, #tpu.memory_space<vmem_shared>> -> memref<632x128xf32, #tpu.memory_space<vmem_shared>>
      %dma_start3A_16 = arith.constant 0 : i32
      %dma_start3A_17 = tpu.memref_slice %arg6[%mul3A_2, %dma_start3A_16] : memref<10112x128xf32, #tpu.memory_space<hbm>> -> memref<632x128xf32, #tpu.memory_space<hbm>>
      tpu.enqueue_dma source(%dma_start3A_17 : memref<632x128xf32, #tpu.memory_space<hbm>>) target(%dma_start3A_15 : memref<632x128xf32, #tpu.memory_space<vmem_shared>>) target_semaphore(%run_scoped3A : memref<!tpu.dma_semaphore, #tpu.memory_space<semaphore_mem>>)
      %dma_wait3A = arith.constant 0 : i32
      %dma_wait3A_18 = tpu.memref_slice %arg14[%mul3A_4, %dma_wait3A] : memref<10112x128xf32, #tpu.memory_space<vmem_shared>> -> memref<632x128xf32, #tpu.memory_space<vmem_shared>>
      %dma_wait3A_19 = arith.constant 0 : i32
      %dma_wait3A_20 = tpu.memref_slice %arg6[%mul3A_2, %dma_wait3A_19] : memref<10112x128xf32, #tpu.memory_space<hbm>> -> memref<632x128xf32, #tpu.memory_space<hbm>>
      tpu.wait_dma2 semaphore(%run_scoped3A : memref<!tpu.dma_semaphore, #tpu.memory_space<semaphore_mem>>) src(%dma_wait3A_20 : memref<632x128xf32, #tpu.memory_space<hbm>>) dst(%dma_wait3A_18 : memref<632x128xf32, #tpu.memory_space<vmem_shared>>)
      tpu.yield
    }) : () -> ()
    %barrier3A = arith.constant 0 : index
    tpu.barrier barrier_id(%barrier3A)
    %scan3A = arith.constant 0 : i32
    %scan3A_5 = arith.constant 0 : i32
    %scan3A_6 = arith.constant 79 : i32
    %scan3A_7 = arith.addi %scan3A_5, %scan3A_6 : i32
    %scan3A_8 = arith.constant 1 : i32
    scf.for %scan3A_15 = %scan3A_5 to %scan3A_7 step %scan3A_8  : i32 {
      %dma_start3A = arith.constant 0 : i32
      %dma_start3A_16 = arith.constant 0 : i32
      %dma_start3A_17 = tpu.memref_slice %arg11[%dma_start3A, %dma_start3A_16] : memref<128x128xf32, #tpu.memory_space<vmem>> -> memref<64x128xf32, #tpu.memory_space<vmem>>
      %dma_start3A_18 = arith.constant 0 : i32
      %dma_start3A_19 = tpu.memref_slice %arg9[%scan3A_15, %dma_start3A_18] : memref<79x128xi32, #tpu.memory_space<vmem>> -> memref<1x64xi32, #tpu.memory_space<vmem>>
      %dma_start3A_20 = tpu.memref_squeeze %dma_start3A_19 : memref<1x64xi32, #tpu.memory_space<vmem>> -> memref<64xi32, #tpu.memory_space<vmem>>
      %dma_start3A_21 = arith.constant 0 : i32
      %dma_start3A_22 = arith.constant 0 : i32
      %dma_start3A_23 = tpu.memref_slice %arg5[%dma_start3A_21, %dma_start3A_22] : memref<10112x128xf32, #tpu.memory_space<hbm>> -> memref<10112x128xf32, #tpu.memory_space<hbm>>
      tpu.enqueue_indirect_dma source(%dma_start3A_23 : memref<10112x128xf32, #tpu.memory_space<hbm>>) target(%dma_start3A_17 : memref<64x128xf32, #tpu.memory_space<vmem>>) offsets(%dma_start3A_20 : memref<64xi32, #tpu.memory_space<vmem>>) semaphore(%arg12 : memref<!tpu.dma_semaphore, #tpu.memory_space<semaphore_mem>>)
      %dma_start3A_24 = arith.constant 64 : i32
      %dma_start3A_25 = arith.constant 0 : i32
      %dma_start3A_26 = tpu.memref_slice %arg11[%dma_start3A_24, %dma_start3A_25] : memref<128x128xf32, #tpu.memory_space<vmem>> -> memref<64x128xf32, #tpu.memory_space<vmem>>
      %dma_start3A_27 = arith.constant 64 : i32
      %dma_start3A_28 = tpu.memref_slice %arg9[%scan3A_15, %dma_start3A_27] : memref<79x128xi32, #tpu.memory_space<vmem>> -> memref<1x64xi32, #tpu.memory_space<vmem>>
      %dma_start3A_29 = tpu.memref_squeeze %dma_start3A_28 : memref<1x64xi32, #tpu.memory_space<vmem>> -> memref<64xi32, #tpu.memory_space<vmem>>
      %dma_start3A_30 = arith.constant 0 : i32
      %dma_start3A_31 = arith.constant 0 : i32
      %dma_start3A_32 = tpu.memref_slice %arg5[%dma_start3A_30, %dma_start3A_31] : memref<10112x128xf32, #tpu.memory_space<hbm>> -> memref<10112x128xf32, #tpu.memory_space<hbm>>
      tpu.enqueue_indirect_dma source(%dma_start3A_32 : memref<10112x128xf32, #tpu.memory_space<hbm>>) target(%dma_start3A_26 : memref<64x128xf32, #tpu.memory_space<vmem>>) offsets(%dma_start3A_29 : memref<64xi32, #tpu.memory_space<vmem>>) semaphore(%arg13 : memref<!tpu.dma_semaphore, #tpu.memory_space<semaphore_mem>>)
      %dma_wait3A = arith.constant 0 : i32
      %dma_wait3A_33 = arith.constant 0 : i32
      %dma_wait3A_34 = tpu.memref_slice %arg11[%dma_wait3A, %dma_wait3A_33] : memref<128x128xf32, #tpu.memory_space<vmem>> -> memref<64x128xf32, #tpu.memory_space<vmem>>
      %dma_wait3A_35 = arith.constant 0 : i32
      %dma_wait3A_36 = tpu.memref_slice %arg9[%scan3A_15, %dma_wait3A_35] : memref<79x128xi32, #tpu.memory_space<vmem>> -> memref<1x64xi32, #tpu.memory_space<vmem>>
      %dma_wait3A_37 = tpu.memref_squeeze %dma_wait3A_36 : memref<1x64xi32, #tpu.memory_space<vmem>> -> memref<64xi32, #tpu.memory_space<vmem>>
      %dma_wait3A_38 = arith.constant 0 : i32
      %dma_wait3A_39 = arith.constant 0 : i32
      %dma_wait3A_40 = tpu.memref_slice %arg5[%dma_wait3A_38, %dma_wait3A_39] : memref<10112x128xf32, #tpu.memory_space<hbm>> -> memref<10112x128xf32, #tpu.memory_space<hbm>>
      tpu.wait_indirect_dma semaphore(%arg12 : memref<!tpu.dma_semaphore, #tpu.memory_space<semaphore_mem>>) src(%dma_wait3A_40 : memref<10112x128xf32, #tpu.memory_space<hbm>>) dst(%dma_wait3A_34 : memref<64x128xf32, #tpu.memory_space<vmem>>)
      %dma_wait3A_41 = arith.constant 64 : i32
      %dma_wait3A_42 = arith.constant 0 : i32
      %dma_wait3A_43 = tpu.memref_slice %arg11[%dma_wait3A_41, %dma_wait3A_42] : memref<128x128xf32, #tpu.memory_space<vmem>> -> memref<64x128xf32, #tpu.memory_space<vmem>>
      %dma_wait3A_44 = arith.constant 64 : i32
      %dma_wait3A_45 = tpu.memref_slice %arg9[%scan3A_15, %dma_wait3A_44] : memref<79x128xi32, #tpu.memory_space<vmem>> -> memref<1x64xi32, #tpu.memory_space<vmem>>
      %dma_wait3A_46 = tpu.memref_squeeze %dma_wait3A_45 : memref<1x64xi32, #tpu.memory_space<vmem>> -> memref<64xi32, #tpu.memory_space<vmem>>
      %dma_wait3A_47 = arith.constant 0 : i32
      %dma_wait3A_48 = arith.constant 0 : i32
      %dma_wait3A_49 = tpu.memref_slice %arg5[%dma_wait3A_47, %dma_wait3A_48] : memref<10112x128xf32, #tpu.memory_space<hbm>> -> memref<10112x128xf32, #tpu.memory_space<hbm>>
      tpu.wait_indirect_dma semaphore(%arg13 : memref<!tpu.dma_semaphore, #tpu.memory_space<semaphore_mem>>) src(%dma_wait3A_49 : memref<10112x128xf32, #tpu.memory_space<hbm>>) dst(%dma_wait3A_43 : memref<64x128xf32, #tpu.memory_space<vmem>>)
      %scan3A_50 = arith.constant 0 : i32
      %scan3A_51 = arith.constant 0 : i32
      %scan3A_52 = arith.constant 128 : i32
      %scan3A_53 = arith.addi %scan3A_51, %scan3A_52 : i32
      %scan3A_54 = arith.constant 2 : i32
      scf.for %scan3A_56 = %scan3A_51 to %scan3A_53 step %scan3A_54  : i32 {
        %broadcast_in_dim3A = vector.broadcast %scan3A_56 : i32 to vector<16xi32>
        %gather3A = arith.constant 0 : i32
        %gather3A_57 = tpu.memref_slice %arg10[%scan3A_15, %gather3A] : memref<79x128xf32, #tpu.memory_space<vmem>> -> memref<1x128xf32, #tpu.memory_space<vmem>>
        %gather3A_58 = tpu.memref_squeeze %gather3A_57 : memref<1x128xf32, #tpu.memory_space<vmem>> -> memref<128xf32, #tpu.memory_space<vmem>>
        %gather3A_59 = tpu.vector_load_idx %gather3A_58[%broadcast_in_dim3A] : memref<128xf32, #tpu.memory_space<vmem>>[vector<16xi32>], vector<16xf32>,
        %get3A = arith.index_cast %scan3A_56 : i32 to index
        %get3A_60 = arith.constant 0 : index
        %get3A_61 = tpu.vector_load %arg11[%get3A, %get3A_60] {strides = array<i32>} : memref<128x128xf32, #tpu.memory_space<vmem>>, vector<16xf32>,
        %mul3A_62 = arith.mulf %get3A_61, %gather3A_59 : vector<16xf32>
        %swap3A = arith.index_cast %scan3A_56 : i32 to index
        %swap3A_63 = arith.constant 0 : index
        %swap3A_64 = tpu.vector_load %arg11[%swap3A, %swap3A_63] {strides = array<i32>} : memref<128x128xf32, #tpu.memory_space<vmem>>, vector<16xf32>,
        tpu.vector_store %arg11[%swap3A, %swap3A_63], %mul3A_62 {strides = array<i32>} : memref<128x128xf32, #tpu.memory_space<vmem>>, vector<16xf32>,
        %get3A_65 = arith.index_cast %scan3A_56 : i32 to index
        %get3A_66 = arith.constant 16 : index
        %get3A_67 = tpu.vector_load %arg11[%get3A_65, %get3A_66] {strides = array<i32>} : memref<128x128xf32, #tpu.memory_space<vmem>>, vector<16xf32>,
        %mul3A_68 = arith.mulf %get3A_67, %gather3A_59 : vector<16xf32>
        %swap3A_69 = arith.index_cast %scan3A_56 : i32 to index
        %swap3A_70 = arith.constant 16 : index
        %swap3A_71 = tpu.vector_load %arg11[%swap3A_69, %swap3A_70] {strides = array<i32>} : memref<128x128xf32, #tpu.memory_space<vmem>>, vector<16xf32>,
        tpu.vector_store %arg11[%swap3A_69, %swap3A_70], %mul3A_68 {strides = array<i32>} : memref<128x128xf32, #tpu.memory_space<vmem>>, vector<16xf32>,
        %get3A_72 = arith.index_cast %scan3A_56 : i32 to index
        %get3A_73 = arith.constant 32 : index
        %get3A_74 = tpu.vector_load %arg11[%get3A_72, %get3A_73] {strides = array<i32>} : memref<128x128xf32, #tpu.memory_space<vmem>>, vector<16xf32>,
        %mul3A_75 = arith.mulf %get3A_74, %gather3A_59 : vector<16xf32>
        %swap3A_76 = arith.index_cast %scan3A_56 : i32 to index
        %swap3A_77 = arith.constant 32 : index
        %swap3A_78 = tpu.vector_load %arg11[%swap3A_76, %swap3A_77] {strides = array<i32>} : memref<128x128xf32, #tpu.memory_space<vmem>>, vector<16xf32>,
        tpu.vector_store %arg11[%swap3A_76, %swap3A_77], %mul3A_75 {strides = array<i32>} : memref<128x128xf32, #tpu.memory_space<vmem>>, vector<16xf32>,
        %get3A_79 = arith.index_cast %scan3A_56 : i32 to index
        %get3A_80 = arith.constant 48 : index
        %get3A_81 = tpu.vector_load %arg11[%get3A_79, %get3A_80] {strides = array<i32>} : memref<128x128xf32, #tpu.memory_space<vmem>>, vector<16xf32>,
        %mul3A_82 = arith.mulf %get3A_81, %gather3A_59 : vector<16xf32>
        %swap3A_83 = arith.index_cast %scan3A_56 : i32 to index
        %swap3A_84 = arith.constant 48 : index
        %swap3A_85 = tpu.vector_load %arg11[%swap3A_83, %swap3A_84] {strides = array<i32>} : memref<128x128xf32, #tpu.memory_space<vmem>>, vector<16xf32>,
        tpu.vector_store %arg11[%swap3A_83, %swap3A_84], %mul3A_82 {strides = array<i32>} : memref<128x128xf32, #tpu.memory_space<vmem>>, vector<16xf32>,
        %get3A_86 = arith.index_cast %scan3A_56 : i32 to index
        %get3A_87 = arith.constant 64 : index
        %get3A_88 = tpu.vector_load %arg11[%get3A_86, %get3A_87] {strides = array<i32>} : memref<128x128xf32, #tpu.memory_space<vmem>>, vector<16xf32>,
        %mul3A_89 = arith.mulf %get3A_88, %gather3A_59 : vector<16xf32>
        %swap3A_90 = arith.index_cast %scan3A_56 : i32 to index
        %swap3A_91 = arith.constant 64 : index
        %swap3A_92 = tpu.vector_load %arg11[%swap3A_90, %swap3A_91] {strides = array<i32>} : memref<128x128xf32, #tpu.memory_space<vmem>>, vector<16xf32>,
        tpu.vector_store %arg11[%swap3A_90, %swap3A_91], %mul3A_89 {strides = array<i32>} : memref<128x128xf32, #tpu.memory_space<vmem>>, vector<16xf32>,
        %get3A_93 = arith.index_cast %scan3A_56 : i32 to index
        %get3A_94 = arith.constant 80 : index
        %get3A_95 = tpu.vector_load %arg11[%get3A_93, %get3A_94] {strides = array<i32>} : memref<128x128xf32, #tpu.memory_space<vmem>>, vector<16xf32>,
        %mul3A_96 = arith.mulf %get3A_95, %gather3A_59 : vector<16xf32>
        %swap3A_97 = arith.index_cast %scan3A_56 : i32 to index
        %swap3A_98 = arith.constant 80 : index
        %swap3A_99 = tpu.vector_load %arg11[%swap3A_97, %swap3A_98] {strides = array<i32>} : memref<128x128xf32, #tpu.memory_space<vmem>>, vector<16xf32>,
        tpu.vector_store %arg11[%swap3A_97, %swap3A_98], %mul3A_96 {strides = array<i32>} : memref<128x128xf32, #tpu.memory_space<vmem>>, vector<16xf32>,
        %get3A_100 = arith.index_cast %scan3A_56 : i32 to index
        %get3A_101 = arith.constant 96 : index
        %get3A_102 = tpu.vector_load %arg11[%get3A_100, %get3A_101] {strides = array<i32>} : memref<128x128xf32, #tpu.memory_space<vmem>>, vector<16xf32>,
        %mul3A_103 = arith.mulf %get3A_102, %gather3A_59 : vector<16xf32>
        %swap3A_104 = arith.index_cast %scan3A_56 : i32 to index
        %swap3A_105 = arith.constant 96 : index
        %swap3A_106 = tpu.vector_load %arg11[%swap3A_104, %swap3A_105] {strides = array<i32>} : memref<128x128xf32, #tpu.memory_space<vmem>>, vector<16xf32>,
        tpu.vector_store %arg11[%swap3A_104, %swap3A_105], %mul3A_103 {strides = array<i32>} : memref<128x128xf32, #tpu.memory_space<vmem>>, vector<16xf32>,
        %get3A_107 = arith.index_cast %scan3A_56 : i32 to index
        %get3A_108 = arith.constant 112 : index
        %get3A_109 = tpu.vector_load %arg11[%get3A_107, %get3A_108] {strides = array<i32>} : memref<128x128xf32, #tpu.memory_space<vmem>>, vector<16xf32>,
        %mul3A_110 = arith.mulf %get3A_109, %gather3A_59 : vector<16xf32>
        %swap3A_111 = arith.index_cast %scan3A_56 : i32 to index
        %swap3A_112 = arith.constant 112 : index
        %swap3A_113 = tpu.vector_load %arg11[%swap3A_111, %swap3A_112] {strides = array<i32>} : memref<128x128xf32, #tpu.memory_space<vmem>>, vector<16xf32>,
        tpu.vector_store %arg11[%swap3A_111, %swap3A_112], %mul3A_110 {strides = array<i32>} : memref<128x128xf32, #tpu.memory_space<vmem>>, vector<16xf32>,
        %scan3A_114 = arith.constant 1 : i32
        %scan3A_115 = arith.addi %scan3A_56, %scan3A_114 : i32
        %broadcast_in_dim3A_116 = vector.broadcast %scan3A_115 : i32 to vector<16xi32>
        %gather3A_117 = arith.constant 0 : i32
        %gather3A_118 = tpu.memref_slice %arg10[%scan3A_15, %gather3A_117] : memref<79x128xf32, #tpu.memory_space<vmem>> -> memref<1x128xf32, #tpu.memory_space<vmem>>
        %gather3A_119 = tpu.memref_squeeze %gather3A_118 : memref<1x128xf32, #tpu.memory_space<vmem>> -> memref<128xf32, #tpu.memory_space<vmem>>
        %gather3A_120 = tpu.vector_load_idx %gather3A_119[%broadcast_in_dim3A_116] : memref<128xf32, #tpu.memory_space<vmem>>[vector<16xi32>], vector<16xf32>,
        %get3A_121 = arith.index_cast %scan3A_115 : i32 to index
        %get3A_122 = arith.constant 0 : index
        %get3A_123 = tpu.vector_load %arg11[%get3A_121, %get3A_122] {strides = array<i32>} : memref<128x128xf32, #tpu.memory_space<vmem>>, vector<16xf32>,
        %mul3A_124 = arith.mulf %get3A_123, %gather3A_120 : vector<16xf32>
        %swap3A_125 = arith.index_cast %scan3A_115 : i32 to index
        %swap3A_126 = arith.constant 0 : index
        %swap3A_127 = tpu.vector_load %arg11[%swap3A_125, %swap3A_126] {strides = array<i32>} : memref<128x128xf32, #tpu.memory_space<vmem>>, vector<16xf32>,
        tpu.vector_store %arg11[%swap3A_125, %swap3A_126], %mul3A_124 {strides = array<i32>} : memref<128x128xf32, #tpu.memory_space<vmem>>, vector<16xf32>,
        %get3A_128 = arith.index_cast %scan3A_115 : i32 to index
        %get3A_129 = arith.constant 16 : index
        %get3A_130 = tpu.vector_load %arg11[%get3A_128, %get3A_129] {strides = array<i32>} : memref<128x128xf32, #tpu.memory_space<vmem>>, vector<16xf32>,
        %mul3A_131 = arith.mulf %get3A_130, %gather3A_120 : vector<16xf32>
        %swap3A_132 = arith.index_cast %scan3A_115 : i32 to index
        %swap3A_133 = arith.constant 16 : index
        %swap3A_134 = tpu.vector_load %arg11[%swap3A_132, %swap3A_133] {strides = array<i32>} : memref<128x128xf32, #tpu.memory_space<vmem>>, vector<16xf32>,
        tpu.vector_store %arg11[%swap3A_132, %swap3A_133], %mul3A_131 {strides = array<i32>} : memref<128x128xf32, #tpu.memory_space<vmem>>, vector<16xf32>,
        %get3A_135 = arith.index_cast %scan3A_115 : i32 to index
        %get3A_136 = arith.constant 32 : index
        %get3A_137 = tpu.vector_load %arg11[%get3A_135, %get3A_136] {strides = array<i32>} : memref<128x128xf32, #tpu.memory_space<vmem>>, vector<16xf32>,
        %mul3A_138 = arith.mulf %get3A_137, %gather3A_120 : vector<16xf32>
        %swap3A_139 = arith.index_cast %scan3A_115 : i32 to index
        %swap3A_140 = arith.constant 32 : index
        %swap3A_141 = tpu.vector_load %arg11[%swap3A_139, %swap3A_140] {strides = array<i32>} : memref<128x128xf32, #tpu.memory_space<vmem>>, vector<16xf32>,
        tpu.vector_store %arg11[%swap3A_139, %swap3A_140], %mul3A_138 {strides = array<i32>} : memref<128x128xf32, #tpu.memory_space<vmem>>, vector<16xf32>,
        %get3A_142 = arith.index_cast %scan3A_115 : i32 to index
        %get3A_143 = arith.constant 48 : index
        %get3A_144 = tpu.vector_load %arg11[%get3A_142, %get3A_143] {strides = array<i32>} : memref<128x128xf32, #tpu.memory_space<vmem>>, vector<16xf32>,
        %mul3A_145 = arith.mulf %get3A_144, %gather3A_120 : vector<16xf32>
        %swap3A_146 = arith.index_cast %scan3A_115 : i32 to index
        %swap3A_147 = arith.constant 48 : index
        %swap3A_148 = tpu.vector_load %arg11[%swap3A_146, %swap3A_147] {strides = array<i32>} : memref<128x128xf32, #tpu.memory_space<vmem>>, vector<16xf32>,
        tpu.vector_store %arg11[%swap3A_146, %swap3A_147], %mul3A_145 {strides = array<i32>} : memref<128x128xf32, #tpu.memory_space<vmem>>, vector<16xf32>,
        %get3A_149 = arith.index_cast %scan3A_115 : i32 to index
        %get3A_150 = arith.constant 64 : index
        %get3A_151 = tpu.vector_load %arg11[%get3A_149, %get3A_150] {strides = array<i32>} : memref<128x128xf32, #tpu.memory_space<vmem>>, vector<16xf32>,
        %mul3A_152 = arith.mulf %get3A_151, %gather3A_120 : vector<16xf32>
        %swap3A_153 = arith.index_cast %scan3A_115 : i32 to index
        %swap3A_154 = arith.constant 64 : index
        %swap3A_155 = tpu.vector_load %arg11[%swap3A_153, %swap3A_154] {strides = array<i32>} : memref<128x128xf32, #tpu.memory_space<vmem>>, vector<16xf32>,
        tpu.vector_store %arg11[%swap3A_153, %swap3A_154], %mul3A_152 {strides = array<i32>} : memref<128x128xf32, #tpu.memory_space<vmem>>, vector<16xf32>,
        %get3A_156 = arith.index_cast %scan3A_115 : i32 to index
        %get3A_157 = arith.constant 80 : index
        %get3A_158 = tpu.vector_load %arg11[%get3A_156, %get3A_157] {strides = array<i32>} : memref<128x128xf32, #tpu.memory_space<vmem>>, vector<16xf32>,
        %mul3A_159 = arith.mulf %get3A_158, %gather3A_120 : vector<16xf32>
        %swap3A_160 = arith.index_cast %scan3A_115 : i32 to index
        %swap3A_161 = arith.constant 80 : index
        %swap3A_162 = tpu.vector_load %arg11[%swap3A_160, %swap3A_161] {strides = array<i32>} : memref<128x128xf32, #tpu.memory_space<vmem>>, vector<16xf32>,
        tpu.vector_store %arg11[%swap3A_160, %swap3A_161], %mul3A_159 {strides = array<i32>} : memref<128x128xf32, #tpu.memory_space<vmem>>, vector<16xf32>,
        %get3A_163 = arith.index_cast %scan3A_115 : i32 to index
        %get3A_164 = arith.constant 96 : index
        %get3A_165 = tpu.vector_load %arg11[%get3A_163, %get3A_164] {strides = array<i32>} : memref<128x128xf32, #tpu.memory_space<vmem>>, vector<16xf32>,
        %mul3A_166 = arith.mulf %get3A_165, %gather3A_120 : vector<16xf32>
        %swap3A_167 = arith.index_cast %scan3A_115 : i32 to index
        %swap3A_168 = arith.constant 96 : index
        %swap3A_169 = tpu.vector_load %arg11[%swap3A_167, %swap3A_168] {strides = array<i32>} : memref<128x128xf32, #tpu.memory_space<vmem>>, vector<16xf32>,
        tpu.vector_store %arg11[%swap3A_167, %swap3A_168], %mul3A_166 {strides = array<i32>} : memref<128x128xf32, #tpu.memory_space<vmem>>, vector<16xf32>,
        %get3A_170 = arith.index_cast %scan3A_115 : i32 to index
        %get3A_171 = arith.constant 112 : index
        %get3A_172 = tpu.vector_load %arg11[%get3A_170, %get3A_171] {strides = array<i32>} : memref<128x128xf32, #tpu.memory_space<vmem>>, vector<16xf32>,
        %mul3A_173 = arith.mulf %get3A_172, %gather3A_120 : vector<16xf32>
        %swap3A_174 = arith.index_cast %scan3A_115 : i32 to index
        %swap3A_175 = arith.constant 112 : index
        %swap3A_176 = tpu.vector_load %arg11[%swap3A_174, %swap3A_175] {strides = array<i32>} : memref<128x128xf32, #tpu.memory_space<vmem>>, vector<16xf32>,
        tpu.vector_store %arg11[%swap3A_174, %swap3A_175], %mul3A_173 {strides = array<i32>} : memref<128x128xf32, #tpu.memory_space<vmem>>, vector<16xf32>,
      }
      %scan3A_55 = arith.constant 128 : i32
      "tpu.region"() ({
        %run_scoped3A = tpu.sem_alloc : memref<!tpu.dma_semaphore, #tpu.memory_space<semaphore_mem>>
        %dma_start3A_56 = arith.constant 0 : i32
        %dma_start3A_57 = tpu.memref_slice %arg8[%scan3A_15, %dma_start3A_56] : memref<79x128xi32, #tpu.memory_space<vmem>> -> memref<1x128xi32, #tpu.memory_space<vmem>>
        %dma_start3A_58 = tpu.memref_squeeze %dma_start3A_57 : memref<1x128xi32, #tpu.memory_space<vmem>> -> memref<128xi32, #tpu.memory_space<vmem>>
        %dma_start3A_59 = arith.constant 0 : i32
        %dma_start3A_60 = arith.constant 0 : i32
        %dma_start3A_61 = tpu.memref_slice %arg14[%dma_start3A_59, %dma_start3A_60] : memref<10112x128xf32, #tpu.memory_space<vmem_shared>> -> memref<10112x128xf32, #tpu.memory_space<vmem_shared>>
        tpu.enqueue_indirect_dma source(%arg11 : memref<128x128xf32, #tpu.memory_space<vmem>>) target(%dma_start3A_61 : memref<10112x128xf32, #tpu.memory_space<vmem_shared>>) offsets(%dma_start3A_58 : memref<128xi32, #tpu.memory_space<vmem>>) semaphore(%run_scoped3A : memref<!tpu.dma_semaphore, #tpu.memory_space<semaphore_mem>>) {add = true}
        %dma_wait3A_62 = arith.constant 0 : i32
        %dma_wait3A_63 = tpu.memref_slice %arg8[%scan3A_15, %dma_wait3A_62] : memref<79x128xi32, #tpu.memory_space<vmem>> -> memref<1x128xi32, #tpu.memory_space<vmem>>
        %dma_wait3A_64 = tpu.memref_squeeze %dma_wait3A_63 : memref<1x128xi32, #tpu.memory_space<vmem>> -> memref<128xi32, #tpu.memory_space<vmem>>
        %dma_wait3A_65 = arith.constant 0 : i32
        %dma_wait3A_66 = arith.constant 0 : i32
        %dma_wait3A_67 = tpu.memref_slice %arg14[%dma_wait3A_65, %dma_wait3A_66] : memref<10112x128xf32, #tpu.memory_space<vmem_shared>> -> memref<10112x128xf32, #tpu.memory_space<vmem_shared>>
        tpu.wait_indirect_dma semaphore(%run_scoped3A : memref<!tpu.dma_semaphore, #tpu.memory_space<semaphore_mem>>) src(%arg11 : memref<128x128xf32, #tpu.memory_space<vmem>>) dst(%dma_wait3A_67 : memref<10112x128xf32, #tpu.memory_space<vmem_shared>>)
        tpu.yield
      }) : () -> ()
    }
    %scan3A_9 = arith.constant 79 : i32
    %barrier3A_10 = arith.constant 0 : index
    tpu.barrier barrier_id(%barrier3A_10)
    %mul3A_11 = arith.constant 632 : i32
    %mul3A_12 = arith.muli %arg1, %mul3A_11 : i32
    %mul3A_13 = arith.constant 632 : i32
    %mul3A_14 = arith.muli %arg1, %mul3A_13 : i32
    "tpu.region"() ({
      %run_scoped3A = tpu.sem_alloc : memref<!tpu.dma_semaphore, #tpu.memory_space<semaphore_mem>>
      %dma_start3A = arith.constant 0 : i32
      %dma_start3A_15 = tpu.memref_slice %arg7[%arg0, %mul3A_14, %dma_start3A] : memref<2x10112x128xf32, #tpu.memory_space<hbm>> -> memref<1x632x128xf32, #tpu.memory_space<hbm>>
      %dma_start3A_16 = tpu.memref_squeeze %dma_start3A_15 : memref<1x632x128xf32, #tpu.memory_space<hbm>> -> memref<632x128xf32, #tpu.memory_space<hbm>>
      %dma_start3A_17 = arith.constant 0 : i32
      %dma_start3A_18 = tpu.memref_slice %arg14[%mul3A_12, %dma_start3A_17] : memref<10112x128xf32, #tpu.memory_space<vmem_shared>> -> memref<632x128xf32, #tpu.memory_space<vmem_shared>>
      tpu.enqueue_dma source(%dma_start3A_18 : memref<632x128xf32, #tpu.memory_space<vmem_shared>>) target(%dma_start3A_16 : memref<632x128xf32, #tpu.memory_space<hbm>>) target_semaphore(%run_scoped3A : memref<!tpu.dma_semaphore, #tpu.memory_space<semaphore_mem>>)
      %dma_wait3A = arith.constant 0 : i32
      %dma_wait3A_19 = tpu.memref_slice %arg7[%arg0, %mul3A_14, %dma_wait3A] : memref<2x10112x128xf32, #tpu.memory_space<hbm>> -> memref<1x632x128xf32, #tpu.memory_space<hbm>>
      %dma_wait3A_20 = tpu.memref_squeeze %dma_wait3A_19 : memref<1x632x128xf32, #tpu.memory_space<hbm>> -> memref<632x128xf32, #tpu.memory_space<hbm>>
      %dma_wait3A_21 = arith.constant 0 : i32
      %dma_wait3A_22 = tpu.memref_slice %arg14[%mul3A_12, %dma_wait3A_21] : memref<10112x128xf32, #tpu.memory_space<vmem_shared>> -> memref<632x128xf32, #tpu.memory_space<vmem_shared>>
      tpu.wait_dma2 semaphore(%run_scoped3A : memref<!tpu.dma_semaphore, #tpu.memory_space<semaphore_mem>>) src(%dma_wait3A_22 : memref<632x128xf32, #tpu.memory_space<vmem_shared>>) dst(%dma_wait3A_20 : memref<632x128xf32, #tpu.memory_space<hbm>>)
      tpu.yield
    }) : () -> ()
    return
  }
}

module attributes {stable_mosaic.version = 14 : i64} {
  func.func @body(%arg0: i32, %arg1: memref<2x632x128xf32, #tpu.memory_space<vmem>>, %arg2: memref<632x128xf32, #tpu.memory_space<vmem>>, %arg3: memref<632x128xf32, #tpu.memory_space<vmem>>, %arg4: memref<632x128xf32, #tpu.memory_space<vmem>>) attributes {dimension_semantics = [#tpu.dimension_semantics<arbitrary>], iteration_bounds = array<i64: 16>, scalar_prefetch = 0 : i64, scratch_operands = 0 : i64, tpu.core_type = #tpu.core_type<tc>, window_params = [{transform_indices = @transform_0, window_bounds = array<i64: 2, 632, 128>}, {transform_indices = @transform_1, window_bounds = array<i64: 632, 128>}, {transform_indices = @transform_2, window_bounds = array<i64: 632, 128>}, {transform_indices = @transform_3, window_bounds = array<i64: 632, 128>}]} {
    %get3A = arith.constant 0 : index
    %get3A_0 = arith.constant 0 : index
    %get3A_1 = arith.constant 0 : index
    %get3A_2 = vector.load %arg1[%get3A, %get3A_0, %get3A_1] : memref<2x632x128xf32, #tpu.memory_space<vmem>>, vector<1x632x128xf32>
    %get3A_3 = vector.shape_cast %get3A_2 : vector<1x632x128xf32> to vector<632x128xf32>
    %get3A_4 = arith.constant 1 : index
    %get3A_5 = arith.constant 0 : index
    %get3A_6 = arith.constant 0 : index
    %get3A_7 = vector.load %arg1[%get3A_4, %get3A_5, %get3A_6] : memref<2x632x128xf32, #tpu.memory_space<vmem>>, vector<1x632x128xf32>
    %get3A_8 = vector.shape_cast %get3A_7 : vector<1x632x128xf32> to vector<632x128xf32>
    %add3A = arith.addf %get3A_3, %get3A_8 : vector<632x128xf32>
    %swap3A = arith.constant 0 : index
    %swap3A_9 = arith.constant 0 : index
    %swap3A_10 = vector.load %arg3[%swap3A, %swap3A_9] : memref<632x128xf32, #tpu.memory_space<vmem>>, vector<632x128xf32>
    tpu.vector_store %arg3[%swap3A, %swap3A_9], %add3A {strides = array<i32>} : memref<632x128xf32, #tpu.memory_space<vmem>>, vector<632x128xf32>,
    %get3A_11 = arith.constant 0 : index
    %get3A_12 = arith.constant 0 : index
    %get3A_13 = vector.load %arg2[%get3A_11, %get3A_12] : memref<632x128xf32, #tpu.memory_space<vmem>>, vector<632x128xf32>
    %add3A_14 = arith.addf %get3A_13, %add3A : vector<632x128xf32>
    %mul3A = arith.constant 1.000000e+00 : f32
    %mul3A_15 = vector.broadcast %mul3A : f32 to vector<632x128xf32>
    %mul3A_16 = arith.mulf %add3A_14, %mul3A_15 : vector<632x128xf32>
    %swap3A_17 = arith.constant 0 : index
    %swap3A_18 = arith.constant 0 : index
    %swap3A_19 = vector.load %arg4[%swap3A_17, %swap3A_18] : memref<632x128xf32, #tpu.memory_space<vmem>>, vector<632x128xf32>
    tpu.vector_store %arg4[%swap3A_17, %swap3A_18], %mul3A_16 {strides = array<i32>} : memref<632x128xf32, #tpu.memory_space<vmem>>, vector<632x128xf32>,
    return
  }
  func.func @transform_0(%arg0: i32) -> (i32, i32, i32) {
    %c0_i32 = arith.constant 0 : i32
    %c0_i32_0 = arith.constant 0 : i32
    %c0_i32_1 = arith.constant 0 : i32
    return %c0_i32, %arg0, %c0_i32_0 : i32, i32, i32
  }
  func.func @transform_1(%arg0: i32) -> (i32, i32) {
    %c0_i32 = arith.constant 0 : i32
    %c0_i32_0 = arith.constant 0 : i32
    return %arg0, %c0_i32 : i32, i32
  }
  func.func @transform_2(%arg0: i32) -> (i32, i32) {
    %c0_i32 = arith.constant 0 : i32
    %c0_i32_0 = arith.constant 0 : i32
    return %arg0, %c0_i32 : i32, i32
  }
  func.func @transform_3(%arg0: i32) -> (i32, i32) {
    %c0_i32 = arith.constant 0 : i32
    %c0_i32_0 = arith.constant 0 : i32
    return %arg0, %c0_i32 : i32, i32
  }
}

module attributes {stable_mosaic.version = 14 : i64} {
  func.func @body(%arg0: i32, %arg1: memref<2x632x128xf32, #tpu.memory_space<vmem>>, %arg2: memref<632x128xf32, #tpu.memory_space<vmem>>, %arg3: memref<632x128xf32, #tpu.memory_space<vmem>>, %arg4: memref<632x128xf32, #tpu.memory_space<vmem>>) attributes {dimension_semantics = [#tpu.dimension_semantics<arbitrary>], iteration_bounds = array<i64: 16>, scalar_prefetch = 0 : i64, scratch_operands = 0 : i64, tpu.core_type = #tpu.core_type<tc>, window_params = [{transform_indices = @transform_0, window_bounds = array<i64: 2, 632, 128>}, {transform_indices = @transform_1, window_bounds = array<i64: 632, 128>}, {transform_indices = @transform_2, window_bounds = array<i64: 632, 128>}, {transform_indices = @transform_3, window_bounds = array<i64: 632, 128>}]} {
    %get3A = arith.constant 0 : index
    %get3A_0 = arith.constant 0 : index
    %get3A_1 = arith.constant 0 : index
    %get3A_2 = vector.load %arg1[%get3A, %get3A_0, %get3A_1] : memref<2x632x128xf32, #tpu.memory_space<vmem>>, vector<1x632x128xf32>
    %get3A_3 = vector.shape_cast %get3A_2 : vector<1x632x128xf32> to vector<632x128xf32>
    %get3A_4 = arith.constant 1 : index
    %get3A_5 = arith.constant 0 : index
    %get3A_6 = arith.constant 0 : index
    %get3A_7 = vector.load %arg1[%get3A_4, %get3A_5, %get3A_6] : memref<2x632x128xf32, #tpu.memory_space<vmem>>, vector<1x632x128xf32>
    %get3A_8 = vector.shape_cast %get3A_7 : vector<1x632x128xf32> to vector<632x128xf32>
    %add3A = arith.addf %get3A_3, %get3A_8 : vector<632x128xf32>
    %swap3A = arith.constant 0 : index
    %swap3A_9 = arith.constant 0 : index
    %swap3A_10 = vector.load %arg3[%swap3A, %swap3A_9] : memref<632x128xf32, #tpu.memory_space<vmem>>, vector<632x128xf32>
    tpu.vector_store %arg3[%swap3A, %swap3A_9], %add3A {strides = array<i32>} : memref<632x128xf32, #tpu.memory_space<vmem>>, vector<632x128xf32>,
    %get3A_11 = arith.constant 0 : index
    %get3A_12 = arith.constant 0 : index
    %get3A_13 = vector.load %arg2[%get3A_11, %get3A_12] : memref<632x128xf32, #tpu.memory_space<vmem>>, vector<632x128xf32>
    %add3A_14 = arith.addf %get3A_13, %add3A : vector<632x128xf32>
    %mul3A = arith.constant 2.500000e-01 : f32
    %mul3A_15 = vector.broadcast %mul3A : f32 to vector<632x128xf32>
    %mul3A_16 = arith.mulf %add3A_14, %mul3A_15 : vector<632x128xf32>
    %swap3A_17 = arith.constant 0 : index
    %swap3A_18 = arith.constant 0 : index
    %swap3A_19 = vector.load %arg4[%swap3A_17, %swap3A_18] : memref<632x128xf32, #tpu.memory_space<vmem>>, vector<632x128xf32>
    tpu.vector_store %arg4[%swap3A_17, %swap3A_18], %mul3A_16 {strides = array<i32>} : memref<632x128xf32, #tpu.memory_space<vmem>>, vector<632x128xf32>,
    return
  }
  func.func @transform_0(%arg0: i32) -> (i32, i32, i32) {
    %c0_i32 = arith.constant 0 : i32
    %c0_i32_0 = arith.constant 0 : i32
    %c0_i32_1 = arith.constant 0 : i32
    return %c0_i32, %arg0, %c0_i32_0 : i32, i32, i32
  }
  func.func @transform_1(%arg0: i32) -> (i32, i32) {
    %c0_i32 = arith.constant 0 : i32
    %c0_i32_0 = arith.constant 0 : i32
    return %arg0, %c0_i32 : i32, i32
  }
  func.func @transform_2(%arg0: i32) -> (i32, i32) {
    %c0_i32 = arith.constant 0 : i32
    %c0_i32_0 = arith.constant 0 : i32
    return %arg0, %c0_i32 : i32, i32
  }
  func.func @transform_3(%arg0: i32) -> (i32, i32) {
    %c0_i32 = arith.constant 0 : i32
    %c0_i32_0 = arith.constant 0 : i32
    return %arg0, %c0_i32 : i32, i32
  }
}

</mosaic_0001>

<sc_bundles>
// kernel: kernel.11.cloned.1.call-start
scs
__scs_entry_jumppad:
0x0: {  	(pc) =	sbr.rel $0x88, $3  }
0x1: {  	(tag) =	ssettag $0x0;
	lr =	simm.s32 $0x1  }
0x2: {  	[smem:$0x3F9E] =	sst lr;
	_ =	strace $0xD0000000  }
0x3: {  	_ = 	snop  }
0x4: {  	_ = 	snop  }
0x5: {  	_ = 	snop  }
0x6: {  	_ = 	snop  }
0x7: {  	_ = 	snop  }
__scs_overlays_trampoline_lowered:
0x8: {  	[smem:$0x3FAD] =	sst s0  }
0x9: {  	[smem:$0x3FAE] =	sst s1  }
0xa: {  	[smem:$0x3FAF] =	sst s2  }
0xb: {  	[smem:$0x3FB0] =	sst s3  }
0xc: {  	[smem:$0x3FB1] =	sst s4  }
0xd: {  	[smem:$0x3FB2] =	sst s5  }
0xe: {  	[smem:$0x3FB3] =	sst s6  }
0xf: {  	[smem:$0x3FB4] =	sst s7  }
0x10: {  	[smem:$0x3FB5] =	sst s8  }
0x11: {  	[smem:$0x3FB6] =	sst s9;
	s0 =	simm.s32 @!p0 $0x0  }
0x12: {  	s1 =	sld [smem:$0x3F9C];
	s0 =	simm.s32 @p0 $0x1  }
0x13: {  	[smem:$0x3FB7] =	sst s0;
	s0 =	simm.s32 @!p1 $0x0  }
0x14: {  	s2 =	sld [smem:$0x3F9B];
	s0 =	simm.s32 @p1 $0x1  }
0x15: {  	[smem:$0x3FB8] =	sst s0;
	s0 =	simm.s32 @!p2 $0x0  }
0x16: {  	s3 =	sld [smem:$0x3FDB];
	s0 =	simm.s32 @p2 $0x1  }
0x17: {  	s4 =	simm.s32 $0x1BF5;
	[smem:$0x3FBA] =	sst s0  }
0x18: {  	s0 =	sld [smem:$0x3F9D];
	_ =	swait.ge [sflag:s4], $0x0  }
0x19: {  	s7 =	sld [smem:$0x3F9E]  }
0x1a: {  	s8 =	sadd.s32 $0xFFFFE003, lr  }
0x1b: {  	s9 =	sadd.s32 $0xFFFFFEF7, lr;
	s5 =	simm.s32 $0xFFFFFFFF;
	p2 =	slt.u32 s8, $0xFFFFF086  }
0x1c: {  	p1 =	slt.u32 s9, $0xF7A;
	s5 =	simm.s32 @!p2 $0x0  }
0x1d: {  	s5 =	simm.s32 @p1 $0x1;
	p0 =	seq.s32 s7, s2  }
0x1e: {  	s7 =	smul.u32 @!p0 $0xF7A, s2;
	p2 =	seq.s32 @!p0 s5, $0x0  }
0x1f: {  	s9 =	smul.u32 $0xF7A, s1;
	s8 =	simm.s32 @!p0 $0x1BF5;
	p2 =	por !p2, p0  }
0x20: {  	[sflag:s8] =	ssyncset.s32 @!p0 $0xFFFFF086;
	s6 =	sadd.s32 @!p0 s3, s7;
	s7 =	simm.s32 @!p0 $0x108  }
0x21: {  	s3 =	sadd.s32 s3, s9;
	s6 =	sadd.s32 @!p0 $0x88, s6;
	s7 =	simm.s32 @p2 $0x1082  }
0x22: {  	[simem:s7], [sflag:s8] =	dma.local @!p0 [hbm:s6], $0xF7A  }
0x23: {  	s9 =	sor.u32 $0xD0000000, s2;
	s6 =	simm.s32 $0x108;
	_ =	swait.ge @!p0 [sflag:s8], $0x0  }
0x24: {  	s3 =	sadd.s32 $0x88, s3;
	s6 =	simm.s32 @!p1 $0x1082;
	[sflag:s4] =	ssyncset.s32 $0xFFFFF086  }
0x25: {  	[simem:s6], [sflag:s4] =	dma.local [hbm:s3], $0xF7A  }
0x26: {  	[smem:$0x3F9E] =	sst s1;
	(tag) =	ssettag s2;
	_ =	strace s9  }
0x27: {  	s1 =	sld [smem:$0x3FAE]  }
0x28: {  	s2 =	sld [smem:$0x3FAF]  }
0x29: {  	s4 =	sld [smem:$0x3FB1]  }
0x2a: {  	p0 =	seq.s32 s5, $0x0;
	s5 =	sld [smem:$0x3FB2]  }
0x2b: {  	s6 =	sld [smem:$0x3FB3]  }
0x2c: {  	s7 =	sld [smem:$0x3FB4]  }
0x2d: {  	s3 =	simm.s32 $0x108;
	s8 =	sld [smem:$0x3FB5]  }
0x2e: {  	s3 =	simm.s32 @!p0 $0x1082;
	s9 =	sld [smem:$0x3FB6]  }
0x2f: {  	lr =	sadd.s32 s0, s3;
	s0 =	sld [smem:$0x3FAD]  }
0x30: {  	s3 =	sld [smem:$0x3FB0]  }
0x31: {  	[smem:$0x3FB9] =	sst s10  }
0x32: {  	s10 =	sld [smem:$0x3FB7];
	_ =	sdelay $0x3  }
0x33: {  	p0 =	seq.s32 s10, $0x1;
	s10 =	sld [smem:$0x3FB9];
	_ =	sdelay $0x3  }
0x34: {  	[smem:$0x3FB9] =	sst s10  }
0x35: {  	s10 =	sld [smem:$0x3FB8];
	_ =	sdelay $0x3  }
0x36: {  	p1 =	seq.s32 s10, $0x1;
	s10 =	sld [smem:$0x3FB9];
	_ =	sdelay $0x3  }
0x37: {  	[smem:$0x3FB9] =	sst s10  }
0x38: {  	s10 =	sld [smem:$0x3FBA]  }
0x39: {  	_ = 	snop;
	(pc) =	sbr.ind lr, $3  }
0x3a: {  	_ = 	snop  }
0x3b: {  	_ = 	snop  }
0x3c: {  	p2 =	seq.s32 s10, $0x1;
	s10 =	sld [smem:$0x3FB9]  }
0x3d: {  	_ =	shalt  }
0x3e: {  	_ =	shalt  }
0x3f: {  	_ =	shalt  }
0x40: {  	_ =	shalt  }
0x41: {  	_ =	shalt  }
0x42: {  	_ =	shalt  }
0x43: {  	_ =	shalt  }
0x44: {  	_ =	shalt  }
0x45: {  	_ =	shalt  }
0x46: {  	_ =	shalt  }
0x47: {  	_ =	shalt  }
0x48: {  	_ =	shalt  }
0x49: {  	_ =	shalt  }
0x4a: {  	_ =	shalt  }
0x4b: {  	_ =	shalt  }
0x4c: {  	_ =	shalt  }
0x4d: {  	_ =	shalt  }
0x4e: {  	_ =	shalt  }
0x4f: {  	_ =	shalt  }
0x50: {  	_ =	shalt  }
0x51: {  	_ =	shalt  }
0x52: {  	_ =	shalt  }
0x53: {  	_ =	shalt  }
0x54: {  	_ =	shalt  }
0x55: {  	_ =	shalt  }
0x56: {  	_ =	shalt  }
0x57: {  	_ =	shalt  }
0x58: {  	_ =	shalt  }
0x59: {  	_ =	shalt  }
0x5a: {  	_ =	shalt  }
0x5b: {  	_ =	shalt  }
0x5c: {  	_ =	shalt  }
0x5d: {  	_ =	shalt  }
0x5e: {  	_ =	shalt  }
0x5f: {  	_ =	shalt  }
0x60: {  	_ =	shalt  }
0x61: {  	_ =	shalt  }
0x62: {  	_ =	shalt  }
0x63: {  	_ =	shalt  }
0x64: {  	_ =	shalt  }
0x65: {  	_ =	shalt  }
0x66: {  	_ =	shalt  }
0x67: {  	_ =	shalt  }
0x68: {  	_ =	shalt  }
0x69: {  	_ =	shalt  }
0x6a: {  	_ =	shalt  }
0x6b: {  	_ =	shalt  }
0x6c: {  	_ =	shalt  }
0x6d: {  	_ =	shalt  }
0x6e: {  	_ =	shalt  }
0x6f: {  	_ =	shalt  }
0x70: {  	_ =	shalt  }
0x71: {  	_ =	shalt  }
0x72: {  	_ =	shalt  }
0x73: {  	_ =	shalt  }
0x74: {  	_ =	shalt  }
0x75: {  	_ =	shalt  }
0x76: {  	_ =	shalt  }
0x77: {  	_ =	shalt  }
0x78: {  	_ =	shalt  }
0x79: {  	_ =	shalt  }
0x7a: {  	_ =	shalt  }
0x7b: {  	_ =	shalt  }
0x7c: {  	_ =	shalt  }
0x7d: {  	_ =	shalt  }
0x7e: {  	_ =	shalt  }
0x7f: {  	_ =	shalt  }
0x80: {  	_ =	shalt  }
0x81: {  	_ =	shalt  }
0x82: {  	_ =	shalt  }
0x83: {  	_ =	shalt  }
0x84: {  	_ =	shalt  }
0x85: {  	_ =	shalt  }
0x86: {  	_ =	shalt  }
0x87: {  	_ =	shalt  }
.Lfunc_end0:
.L_simem_size_0:
called_computation.1_lowered:
.L_overlay_start_0:
0x88: {  	s2 =	sld [smem:$0x3FD9]  }
0x89: {  	s3 =	sld [smem:$0x3FFE];
	_ =	sdelay $0x1  }
0x8a: {  	s1 =	srdreg.scid  }
0x8b: {  	s0 =	sand.u32 $0x1, s1  }
0x8c: {  	s17 =	sshll.u32 s0, $0xA;
	s2 =	sadd.s32 s3, s2  }
0x8d: {  	s2 =	sadd.s32 s2, s17  }
0x8e: {  	[smem:$0x3FC5] =	sst s2  }
0x8f: {  	_ = 	snop  }
0x90: {  	s2 =	sld [smem:$0x3FD0];
	(tm) =	ssettm $0x1  }
0x91: {  	s18 =	sld [smem:$0x3FFB];
	_ =	sdelay $0x3  }
0x92: {  	_ =	strace s18  }
0x93: {  	s3 =	sld [smem:$0x3FFC];
	_ =	sdelay $0x3  }
0x94: {  	_ =	strace s3  }
0x95: {  	s3 =	sld [smem:$0x3FFD];
	_ =	sdelay $0x3  }
0x96: {  	_ =	strace s3  }
0x97: {  	_ =	strace $0x8FFFFFFF  }
0x98: {  	s19 =	sld [smem:$0x3FDB];
	_ =	sdelay $0x1  }
0x99: {  	s4 =	simm.s32 $_scs_section_size  }
0x9a: {  	s5 =	simm.s32 $_size__tile_overlayer_lowered;
	s6 =	simm.s32 $_tile_overlayer_lowered  }
0x9b: {  	s22 =	simm.s32 $0x1BFF;
	s21 =	sshll.u32 s6, $0x1;
	s3 =	sadd.s32 s4, s19  }
0x9c: {  	s7 =	simm.s32 $0x0;
	s20 =	sshll.u32 s5, $0x1;
	s5 =	sadd.s32 s21, s3  }
0x9d: {  	[timem:s7], [sflag:s22] =	dma.local [hbm:s5], s20  }
0x9e: {  	_ =	swait.ge [sflag:s22], s20  }
0x9f: {  	s4 =	ssub.s32 $0x0, s20;
	[sflag:s22] =	ssyncset.done $0x0  }
0xa0: {  	[sflag:s22] =	ssyncadd.s32 s4;
	_ =	sdelay $0x1  }
0xa1: {  	s23 =	simm.s32 $0x1B8B  }
0xa2: {  	_ =	swait.ge [sflag:s23], $0x1  }
0xa3: {  	[sflag:s23] =	ssyncset.done $0x0  }
0xa4: {  	s25 =	simm.s32 $0x1B8E;
	s24 =	sld [smem:$0x3FFE];
	[sflag:s23] =	ssyncadd.s32 $0xFFFFFFFF  }
0xa5: {  	s26 =	simm.s32 $execute0_lowered;
	[smem:$0x3FD2] =	sst s25  }
0xa6: {  	s5 =	sshll.u32 s26, $0x1;
	_ =	strace $0x80000049;
	[dreg:$0x1] =	wrdreg $0xFFFFFFFF  }
0xa7: {  	s28 =	simm.s32 $_size_execute0_lowered;
	s3 =	sadd.s32 s3, s5;
	[dreg:$0x0] =	wrdreg $0x0  }
0xa8: {  	s5 =	sshll.u32 s28, $0x1;
	[dreg:$0x2] =	wrdreg s3  }
0xa9: {  	[dreg:$0x3] =	wrdreg s5  }
0xaa: {  	[dreg:$0x4] =	wrdreg $0xC0  }
0xab: {  	_ =	task [dreg:s7], $0x5FFFF  }
0xac: {  	[dreg:$0x1] =	wrdreg $0xFFFFFFFF  }
0xad: {  	[dreg:$0x0] =	wrdreg $0x60  }
0xae: {  	[dreg:$0x2] =	wrdreg s2  }
0xaf: {  	[dreg:$0x3] =	wrdreg s24  }
0xb0: {  	[dreg:$0x4] =	wrdreg $0xB8000  }
0xb1: {  	[dreg:$0x5] =	wrdreg $0x9  }
0xb2: {  	_ =	task.clear_ibuf [dreg:s7], $0x6FFFF;
	_ =	strace $0x90000049  }
0xb3: {  	s29 =	simm.s32 $0x9;
	_ =	strace $0x8000004B  }
0xb4: {  	_ =	swait.ge [sflag:s29], $0x1  }
0xb5: {  	[sflag:s29] =	ssyncadd.s32 $0xFFFFFFFF  }
0xb6: {  	_ =	strace $0x9000004B  }
0xb7: {  	_ =	sfence  }
0xb8: {  	s30 =	sld [smem:$0x0];
	_ =	sdelay $0x2  }
0xb9: {  	s31 =	sshll.u32 s1, $0xD;
	s1 =	sshrl.u32 s1, $0x2  }
0xba: {  	s3 =	sand.u32 $0x4000, s31;
	s1 =	sadd.s32 s1, s30  }
0xbb: {  	s0 =	sor.u32 s3, s0;
	s1 =	sshll.u32 s1, $0x11  }
0xbc: {  	s0 =	sor.u32 s1, s0  }
0xbd: {  	s0 =	sadd.s32 $0x8F2B, s0  }
0xbe: {  	[sflag:s0] =	ssyncadd.remote.s32 $0x1  }
0xbf: {  	_ =	sfence.sel $0xFFFF  }
0xc0: {  	[dreg:$0x0] =	wrdreg $0xFFFFFFFF;
	(pc) =	sbr.abs _section_cstart, $3  }
0xc1: {  	[dreg:$0x1] =	wrdreg $0xFFFFFFFF  }
0xc2: {  	_ =	task.clear_ibuf [dreg:s7], $0x2FFFF;
	_ =	strace $0x9FFFFFFF  }
0xc3: {  	(tm) =	ssettm $0x7FFFFFFF  }
tec
execute0_lowered:
.L_overlay_start_1:
0x0: {  	(tag) =	ssettag $0x1  }
0x1: {  	s5 =	rddreg [dreg:$0x0]  }
0x2: {  	s1 =	srdreg.scid;
	s7 =	rddreg [dreg:$0x1]  }
0x3: {  	s0 =	stileid.u32;
	s2 =	rddreg [dreg:$0x2]  }
0x4: {  	s3 =	simm.s32 $0x0;
	s16 =	simm.s32 $0x40;
	s17 =	simm.s32 $0x7800  }
0x5: {  	s18 =	simm.s32 $0x9800;
	s19 =	simm.s32 $0x1;
	s20 =	simm.s32 $0x2  }
0x6: {  	s21 =	simm.s32 $0x80;
	s22 =	simm.s32 $0x0;
	s6 =	sand.u32 $0x1, s1  }
0x7: {  	s29 =	sshll.u32 s0, $0x1;
	s9 =	smul.u32 $0x13C00, s0;
	[smem:$0x7FF] =	sst s3  }
0x8: {  	s4 =	sadd.s32 $0x16000, s7;
	s13 =	smul.u32 $0x4F000, s0;
	s14 =	sshll.u32 s0, $0x6  }
0x9: {  	s1 =	sor.u32 s6, s29;
	s10 =	smul.u32 $0x13C000, s6;
	s6 =	ssub.s32 $0x2, s6  }
0xa: {  	s14 =	sor.u32 $0x1C03, s14;
	s8 =	smul.u32 $0x500, s1;
	s1 =	rddreg [dreg:$0x3]  }
0xb: {  	_ =	strace $0x8000004A;
	s12 =	sshrl.u32 s9, $0x3;
	s30 =	sshrl.u32 s6, $0x1  }
0xc: {  	s31 =	sshrl.u32 s13, $0x2;
	s13 =	simm.s32 $0x5000;
	s9 =	sadd.s32 s9, s10  }
0xd: {  	s12 =	sadd.s32 s12, s7;
	s10 =	ssub.s32 s6, s30;
	s15 =	sadd.s32 s31, s2  }
0xe: {  	s11 =	sadd.s32 s8, s7;
	s9 =	sshrl.u32 s9, $0x3;
	s5 =	sadd.s32 s5, s8  }
0xf: {  	s8 =	sadd.s32 $0x3D800, s12;
	s10 =	smax.u32 s10, $0x1;
	s12 =	simm.s32 $0x2800  }
0x10: {  	s15 =	sshrl.u32 s15, $0x3;
	s9 =	sadd.s32 s9, s7;
	s6 =	sadd.s32 $0xC000, s11  }
0x11: {  	s7 =	sadd.s32 $0x2000, s11;
	s11 =	simm.s32 $0x3;
	s9 =	sadd.s32 $0x65000, s9  }
.LBB2_1:
0x12: {  	[tilespmem:s3], [sflag:$0x3] =	stream.linear.gather [hbm4b:s5+s3], $0x2780, $0x38;
	[tilespmem:$0x1F400] =	vst v63  }
0x13: {  	_ =	swait.ge [sflag:s11], $0x2780  }
0x14: {  	[sflag:s11] =	ssyncset.done $0x0  }
0x15: {  	[sflag:s11] =	ssyncadd.s32 $0xFFFFD880  }
0x16: {  	[tilespmem:s12], [sflag:$0x3] =	stream.linear.gather [hbm4b:s6+s3], $0x2780, $0x38;
	[tilespmem:$0x1F400] =	vst v63  }
0x17: {  	_ =	swait.ge [sflag:s11], $0x2780  }
0x18: {  	[sflag:s11] =	ssyncset.done $0x0  }
0x19: {  	[sflag:s11] =	ssyncadd.s32 $0xFFFFD880  }
0x1a: {  	[tilespmem:s13], [sflag:$0x3] =	stream.linear.gather [hbm4b:s7+s3], $0x2780, $0x38;
	[tilespmem:$0x1F400] =	vst v63  }
0x1b: {  	_ =	swait.ge [sflag:s11], $0x2780  }
0x1c: {  	[sflag:s11] =	ssyncset.done $0x0  }
0x1d: {  	[sflag:s11] =	ssyncadd.s32 $0xFFFFD880  }
0x1e: {  	[spmem:s15], [sflag:s14] =	dma.local [hbm:s8], $0x2780  }
0x1f: {  	_ =	swait.ge [sflag:s11], $0x2780  }
0x20: {  	[sflag:s11] =	ssyncset.done $0x0  }
0x21: {  	[sflag:s11] =	ssyncadd.s32 $0xFFFFD880  }
0x22: {  	s23 =	simm.s32 $0x0;
	[bflag:$0x0] =	sbarrier.arrive $0xFFFF  }
.LBB2_2:
0x23: {  	s24 =	sshll.u32 s23, $0x7  }
0x24: {  	s25 =	sadd.s32 $0x2800, s24  }
0x25: {  	[tilespmem:s17], [sflag:$0x1] =	stream.indirect.gather [hbm4b:s4+s16], $0x80, s25, s16, $0xb8;
	[tilespmem:$0x1F400] =	vst v63  }
0x26: {  	s31 =	simm.s32 $0x0;
	s30 =	sadd.s32 $0x2840, s24  }
0x27: {  	v0 =	vmov s31;
	[tilespmem:s18], [sflag:$0x2] =	stream.indirect.gather [hbm4b:s4+s16], $0x80, s30, s16, $0xb8;
	[tilespmem:$0x1F400] =	vst v63  }
0x28: {  	v0 =	vand.u32 $0xFFFFFFFE, v0;
	_ =	swait.ge [sflag:s19], $0x2000  }
0x29: {  	v1 =	vbroadcast v0, $0x0;
	[sflag:s19] =	ssyncset.done $0x0  }
0x2a: {  	[sflag:s19] =	ssyncadd.s32 $0xFFFFE000  }
0x2b: {  	_ =	swait.ge [sflag:s20], $0x2000  }
0x2c: {  	[sflag:s20] =	ssyncset.done $0x0  }
0x2d: {  	s25 =	simm.s32 $0x7880;
	[sflag:s20] =	ssyncadd.s32 $0xFFFFE000  }
0x2e: {  	s26 =	sadd.s32 $0x5000, s24;
	v4 =	vld [tilespmem:s25+$0xFFFFFFF0]  }
0x2f: {  	v5 =	vld.idx.msk [tilespmem:v1+s26+$0x0], $0xffff  }
0x30: {  	v6 =	vld [tilespmem:s25+$0xFFFFFF80]  }
0x31: {  	v7 =	vld [tilespmem:s25+$0xFFFFFFA0]  }
0x32: {  	v3 =	vld [tilespmem:s25+$0xFFFFFFB0]  }
0x33: {  	v2 =	vld [tilespmem:s25+$0xFFFFFFD0]  }
0x34: {  	v9 =	vld [tilespmem:s25+$0xFFFFFF90];
	v4 =	vmul.f32 v4, v5  }
0x35: {  	v8 =	vld [tilespmem:s25+$0xFFFFFFE0];
	v6 =	vmul.f32 v6, v5  }
0x36: {  	v10 =	vld [tilespmem:s25+$0xFFFFFFC0];
	v7 =	vmul.f32 v7, v5;
	[tilespmem:s25+$0xFFFFFFF0] =	vst v4  }
0x37: {  	v3 =	vmul.f32 v3, v5;
	[tilespmem:s25+$0xFFFFFF80] =	vst v6  }
0x38: {  	s28 =	simm.s32 $0x1;
	v2 =	vmul.f32 v2, v5;
	[tilespmem:s25+$0xFFFFFFA0] =	vst v7  }
0x39: {  	v4 =	vmul.f32 v9, v5;
	[tilespmem:s25+$0xFFFFFFB0] =	vst v3;
	v6 =	vmov s28  }
0x3a: {  	v0 =	vld [tilespmem:s25+$0x0];
	v3 =	vmul.f32 v8, v5;
	[tilespmem:s25+$0xFFFFFFD0] =	vst v2  }
0x3b: {  	v1 =	vld [tilespmem:s25+$0x10];
	v2 =	vmul.f32 v10, v5;
	[tilespmem:s25+$0xFFFFFF90] =	vst v4  }
0x3c: {  	[tilespmem:s25+$0xFFFFFFE0] =	vst v3;
	v4 =	vld [tilespmem:s25+$0x30]  }
0x3d: {  	[tilespmem:s25+$0xFFFFFFC0] =	vst v2;
	v3 =	vld [tilespmem:s25+$0x70]  }
0x3e: {  	s29 =	simm.s32 $0x7880;
	s28 =	simm.s32 $0x2;
	v2 =	vld.idx.msk [tilespmem:v6+s26+$0x0], $0xffff  }
.LBB2_3:
0x3f: {  	p0 =	slt.u32 s28, $0x7E  }
0x40: {  	v5 =	vld [tilespmem:s25+$0x20];
	s29 =	sadd.s32 $0x100, s29;
	s30 =	smov.u32 s28;
	s28 =	sadd.s32 $0x2, s28  }
0x41: {  	v6 =	vld [tilespmem:s25+$0x40]  }
0x42: {  	v7 =	vld [tilespmem:s25+$0x50]  }
0x43: {  	v8 =	vld [tilespmem:s25+$0x60];
	_ =	sdelay $0x1  }
0x44: {  	v0 =	vmul.f32 v0, v2;
	v1 =	vmul.f32 v1, v2  }
0x45: {  	v4 =	vmul.f32 v4, v2;
	v5 =	vmul.f32 v5, v2  }
0x46: {  	v9 =	vmov s30;
	v6 =	vmul.f32 v6, v2;
	[tilespmem:s25+$0x0] =	vst v0;
	v7 =	vmul.f32 v7, v2  }
0x47: {  	v9 =	vand.u32 $0xFFFFFFFE, v9;
	v0 =	vld [tilespmem:s29+$0x0];
	[tilespmem:s25+$0x30] =	vst v4;
	v4 =	vmul.f32 v8, v2;
	v2 =	vmul.f32 v3, v2  }
0x48: {  	v3 =	vbroadcast v9, $0x0;
	[tilespmem:s25+$0x10] =	vst v1  }
0x49: {  	[tilespmem:s25+$0x70] =	vst v2  }
0x4a: {  	v2 =	vld [tilespmem:s29+$0xFFFFFFD0];
	[tilespmem:s25+$0x20] =	vst v5  }
0x4b: {  	v5 =	vld [tilespmem:s29+$0xFFFFFFB0];
	[tilespmem:s25+$0x60] =	vst v4  }
0x4c: {  	v4 =	vld [tilespmem:s29+$0xFFFFFFE0];
	[tilespmem:s25+$0x40] =	vst v6  }
0x4d: {  	v6 =	vld [tilespmem:s29+$0xFFFFFFF0];
	[tilespmem:s25+$0x50] =	vst v7;
	s25 =	smov.u32 s29  }
0x4e: {  	v3 =	vld.idx.msk [tilespmem:v3+s26+$0x0], $0xffff  }
0x4f: {  	v7 =	vld [tilespmem:s29+$0xFFFFFF80]  }
0x50: {  	v8 =	vld [tilespmem:s29+$0xFFFFFFA0]  }
0x51: {  	v9 =	vld [tilespmem:s29+$0xFFFFFF90]  }
0x52: {  	v10 =	vld [tilespmem:s29+$0xFFFFFFC0]  }
0x53: {  	v1 =	vld [tilespmem:s29+$0x10]  }
0x54: {  	v6 =	vmul.f32 v6, v3;
	v7 =	vmul.f32 v7, v3  }
0x55: {  	v4 =	vmul.f32 v4, v3;
	v8 =	vmul.f32 v8, v3  }
0x56: {  	v5 =	vmul.f32 v5, v3;
	v9 =	vmul.f32 v9, v3;
	[tilespmem:s29+$0xFFFFFFF0] =	vst v6  }
0x57: {  	v2 =	vmul.f32 v2, v3;
	[tilespmem:s29+$0xFFFFFF80] =	vst v7;
	v6 =	vmul.f32 v10, v3  }
0x58: {  	s30 =	sadd.s32 $0x1, s30;
	[tilespmem:s29+$0xFFFFFFA0] =	vst v8  }
0x59: {  	[tilespmem:s29+$0xFFFFFFB0] =	vst v5;
	v5 =	vmov s30  }
.Ltmp0:
0x5a: {  	[tilespmem:s29+$0xFFFFFFD0] =	vst v2;
	(pc) =	sbr.rel @p0 .LBB2_3-.Ltmp0, $4  }
0x5b: {  	[tilespmem:s29+$0xFFFFFF90] =	vst v9  }
0x5c: {  	[tilespmem:s29+$0xFFFFFFE0] =	vst v4;
	v4 =	vld [tilespmem:s29+$0x30]  }
0x5d: {  	[tilespmem:s29+$0xFFFFFFC0] =	vst v6;
	v3 =	vld [tilespmem:s29+$0x70]  }
0x5e: {  	v2 =	vld.idx.msk [tilespmem:v5+s26+$0x0], $0xffff  }
0x5f: {  	_ =	sdelay $0x2  }
0x60: {  	v5 =	vld [tilespmem:s25+$0x20]  }
0x61: {  	v6 =	vld [tilespmem:s25+$0x60];
	v0 =	vmul.f32 v0, v2  }
0x62: {  	v7 =	vld [tilespmem:s25+$0x40];
	v4 =	vmul.f32 v4, v2  }
0x63: {  	v8 =	vld [tilespmem:s25+$0x50];
	v1 =	vmul.f32 v1, v2;
	[tilespmem:s25+$0x0] =	vst v0  }
0x64: {  	v59 =	vmul.f32 v3, v2;
	[tilespmem:s25+$0x30] =	vst v4  }
0x65: {  	v60 =	vmul.f32 v5, v2;
	[tilespmem:s25+$0x10] =	vst v1  }
0x66: {  	v61 =	vmul.f32 v6, v2;
	[tilespmem:s25+$0x70] =	vst v59  }
0x67: {  	v62 =	vmul.f32 v7, v2;
	[tilespmem:s25+$0x20] =	vst v60  }
0x68: {  	s23 =	sadd.s32 $0x1, s23;
	v63 =	vmul.f32 v8, v2;
	[tilespmem:s25+$0x60] =	vst v61  }
0x69: {  	p0 =	sne.s32 s23, $0x4F;
	[tilespmem:s25+$0x40] =	vst v62  }
.Ltmp1:
0x6a: {  	[tilespmem:s25+$0x50] =	vst v63;
	(pc) =	sbr.rel @p0 .LBB2_2-.Ltmp1, $4  }
0x6b: {  	[spmem:s2] =	stream.indirect.scatter.add.f32 [tilespmem:s17], [sflag:$0x3], $0x80, s24, s21, $0xb8;
	[tilespmem:$0x1F400] =	vst v63  }
0x6c: {  	_ =	swait.ge [sflag:s11], $0x4000  }
0x6d: {  	[sflag:s11] =	ssyncset.done $0x0  }
0x6e: {  	[sflag:s11] =	ssyncadd.s32 $0xFFFFC000  }
0x6f: {  	s22 =	sadd.s32 $0x1, s22  }
0x70: {  	p0 =	sne.s32 s22, s10  }
.Ltmp2:
0x71: {  	[bflag:$0x0] =	sbarrier.arrive $0xFFFF;
	(pc) =	sbr.rel @p0 .LBB2_1-.Ltmp2, $4  }
0x72: {  	[hbm:s9], [sflag:s14] =	dma.local [spmem:s15], $0x2780  }
0x73: {  	_ =	swait.ge [sflag:s11], $0x2780  }
0x74: {  	[sflag:s11] =	ssyncset.done $0x0  }
0x75: {  	[sflag:s11] =	ssyncadd.s32 $0xFFFFD880  }
0x76: {  	_ =	sfence.sel $0x180000  }
0x77: {  	[bflag:$0x0] =	sbarrier.arrive $0xFFFF  }
0x78: {  	p0 =	sne.s32 s0, $0x0;
	_ =	strace $0x9000004A  }
0x79: {  	s0 =	sadd.s32 @!p0 $0x100000, s1;
	[bflag:$0x2] =	sbarrier.arrive $0xFFFF  }
0x7a: {  	[sflag:s0] =	ssyncadd.tile.s32 @!p0 $0x1;
	_ =	shalt  }
.Lfunc_end2:
_tile_overlayer_lowered:
.L_overlay_start_2:
0x7b: {  	(tag) =	ssettag $0x2  }
0x7c: {  	s0 =	rddreg [dreg:$0x0];
	s2 =	stileid.u32  }
0x7d: {  	s1 =	rddreg [dreg:$0x1];
	p0 =	sne.s32 s2, $0x0  }
0x7e: {  	s3 =	rddreg [dreg:$0x2];
	[bflag:$0x3] =	sbarrier.arrive $0xFFFF;
	s2 =	simm.s32 @!p0 $0x1C03  }
0x7f: {  	[timem:s3], [sflag:s2] =	dma.local @!p0 [hbm:s0], s1  }
0x80: {  	s0 =	simm.s32 @!p0 $0x3  }
0x81: {  	_ =	swait.ge @!p0 [sflag:s0], s1  }
0x82: {  	s1 =	ssub.s32 @!p0 $0x0, s1;
	[sflag:s0] =	ssyncset.done @!p0 $0x0  }
0x83: {  	[sflag:s0] =	ssyncadd.s32 @!p0 s1  }
0x84: {  	[bflag:$0x3] =	sbarrier.arrive $0xFFFF  }
0x85: {  	_ =	shalt  }

// kernel: kernel.14.cloned.1.call-start
scs
__scs_entry_jumppad:
0x0: {  	(pc) =	sbr.rel $0x88, $3  }
0x1: {  	(tag) =	ssettag $0x0;
	lr =	simm.s32 $0x1  }
0x2: {  	[smem:$0x3F9E] =	sst lr;
	_ =	strace $0xD0000000  }
0x3: {  	_ = 	snop  }
0x4: {  	_ = 	snop  }
0x5: {  	_ = 	snop  }
0x6: {  	_ = 	snop  }
0x7: {  	_ = 	snop  }
__scs_overlays_trampoline_lowered:
0x8: {  	[smem:$0x3FAD] =	sst s0  }
0x9: {  	[smem:$0x3FAE] =	sst s1  }
0xa: {  	[smem:$0x3FAF] =	sst s2  }
0xb: {  	[smem:$0x3FB0] =	sst s3  }
0xc: {  	[smem:$0x3FB1] =	sst s4  }
0xd: {  	[smem:$0x3FB2] =	sst s5  }
0xe: {  	[smem:$0x3FB3] =	sst s6  }
0xf: {  	[smem:$0x3FB4] =	sst s7  }
0x10: {  	[smem:$0x3FB5] =	sst s8  }
0x11: {  	[smem:$0x3FB6] =	sst s9;
	s0 =	simm.s32 @!p0 $0x0  }
0x12: {  	s1 =	sld [smem:$0x3F9C];
	s0 =	simm.s32 @p0 $0x1  }
0x13: {  	[smem:$0x3FB7] =	sst s0;
	s0 =	simm.s32 @!p1 $0x0  }
0x14: {  	s2 =	sld [smem:$0x3F9B];
	s0 =	simm.s32 @p1 $0x1  }
0x15: {  	[smem:$0x3FB8] =	sst s0;
	s0 =	simm.s32 @!p2 $0x0  }
0x16: {  	s3 =	sld [smem:$0x3FDB];
	s0 =	simm.s32 @p2 $0x1  }
0x17: {  	s4 =	simm.s32 $0x1BF5;
	[smem:$0x3FBA] =	sst s0  }
0x18: {  	s0 =	sld [smem:$0x3F9D];
	_ =	swait.ge [sflag:s4], $0x0  }
0x19: {  	s7 =	sld [smem:$0x3F9E]  }
0x1a: {  	s8 =	sadd.s32 $0xFFFFE003, lr  }
0x1b: {  	s9 =	sadd.s32 $0xFFFFFEF7, lr;
	s5 =	simm.s32 $0xFFFFFFFF;
	p2 =	slt.u32 s8, $0xFFFFF086  }
0x1c: {  	p1 =	slt.u32 s9, $0xF7A;
	s5 =	simm.s32 @!p2 $0x0  }
0x1d: {  	s5 =	simm.s32 @p1 $0x1;
	p0 =	seq.s32 s7, s2  }
0x1e: {  	s7 =	smul.u32 @!p0 $0xF7A, s2;
	p2 =	seq.s32 @!p0 s5, $0x0  }
0x1f: {  	s9 =	smul.u32 $0xF7A, s1;
	s8 =	simm.s32 @!p0 $0x1BF5;
	p2 =	por !p2, p0  }
0x20: {  	[sflag:s8] =	ssyncset.s32 @!p0 $0xFFFFF086;
	s6 =	sadd.s32 @!p0 s3, s7;
	s7 =	simm.s32 @!p0 $0x108  }
0x21: {  	s3 =	sadd.s32 s3, s9;
	s6 =	sadd.s32 @!p0 $0x88, s6;
	s7 =	simm.s32 @p2 $0x1082  }
0x22: {  	[simem:s7], [sflag:s8] =	dma.local @!p0 [hbm:s6], $0xF7A  }
0x23: {  	s9 =	sor.u32 $0xD0000000, s2;
	s6 =	simm.s32 $0x108;
	_ =	swait.ge @!p0 [sflag:s8], $0x0  }
0x24: {  	s3 =	sadd.s32 $0x88, s3;
	s6 =	simm.s32 @!p1 $0x1082;
	[sflag:s4] =	ssyncset.s32 $0xFFFFF086  }
0x25: {  	[simem:s6], [sflag:s4] =	dma.local [hbm:s3], $0xF7A  }
0x26: {  	[smem:$0x3F9E] =	sst s1;
	(tag) =	ssettag s2;
	_ =	strace s9  }
0x27: {  	s1 =	sld [smem:$0x3FAE]  }
0x28: {  	s2 =	sld [smem:$0x3FAF]  }
0x29: {  	s4 =	sld [smem:$0x3FB1]  }
0x2a: {  	p0 =	seq.s32 s5, $0x0;
	s5 =	sld [smem:$0x3FB2]  }
0x2b: {  	s6 =	sld [smem:$0x3FB3]  }
0x2c: {  	s7 =	sld [smem:$0x3FB4]  }
0x2d: {  	s3 =	simm.s32 $0x108;
	s8 =	sld [smem:$0x3FB5]  }
0x2e: {  	s3 =	simm.s32 @!p0 $0x1082;
	s9 =	sld [smem:$0x3FB6]  }
0x2f: {  	lr =	sadd.s32 s0, s3;
	s0 =	sld [smem:$0x3FAD]  }
0x30: {  	s3 =	sld [smem:$0x3FB0]  }
0x31: {  	[smem:$0x3FB9] =	sst s10  }
0x32: {  	s10 =	sld [smem:$0x3FB7];
	_ =	sdelay $0x3  }
0x33: {  	p0 =	seq.s32 s10, $0x1;
	s10 =	sld [smem:$0x3FB9];
	_ =	sdelay $0x3  }
0x34: {  	[smem:$0x3FB9] =	sst s10  }
0x35: {  	s10 =	sld [smem:$0x3FB8];
	_ =	sdelay $0x3  }
0x36: {  	p1 =	seq.s32 s10, $0x1;
	s10 =	sld [smem:$0x3FB9];
	_ =	sdelay $0x3  }
0x37: {  	[smem:$0x3FB9] =	sst s10  }
0x38: {  	s10 =	sld [smem:$0x3FBA]  }
0x39: {  	_ = 	snop;
	(pc) =	sbr.ind lr, $3  }
0x3a: {  	_ = 	snop  }
0x3b: {  	_ = 	snop  }
0x3c: {  	p2 =	seq.s32 s10, $0x1;
	s10 =	sld [smem:$0x3FB9]  }
0x3d: {  	_ =	shalt  }
0x3e: {  	_ =	shalt  }
0x3f: {  	_ =	shalt  }
0x40: {  	_ =	shalt  }
0x41: {  	_ =	shalt  }
0x42: {  	_ =	shalt  }
0x43: {  	_ =	shalt  }
0x44: {  	_ =	shalt  }
0x45: {  	_ =	shalt  }
0x46: {  	_ =	shalt  }
0x47: {  	_ =	shalt  }
0x48: {  	_ =	shalt  }
0x49: {  	_ =	shalt  }
0x4a: {  	_ =	shalt  }
0x4b: {  	_ =	shalt  }
0x4c: {  	_ =	shalt  }
0x4d: {  	_ =	shalt  }
0x4e: {  	_ =	shalt  }
0x4f: {  	_ =	shalt  }
0x50: {  	_ =	shalt  }
0x51: {  	_ =	shalt  }
0x52: {  	_ =	shalt  }
0x53: {  	_ =	shalt  }
0x54: {  	_ =	shalt  }
0x55: {  	_ =	shalt  }
0x56: {  	_ =	shalt  }
0x57: {  	_ =	shalt  }
0x58: {  	_ =	shalt  }
0x59: {  	_ =	shalt  }
0x5a: {  	_ =	shalt  }
0x5b: {  	_ =	shalt  }
0x5c: {  	_ =	shalt  }
0x5d: {  	_ =	shalt  }
0x5e: {  	_ =	shalt  }
0x5f: {  	_ =	shalt  }
0x60: {  	_ =	shalt  }
0x61: {  	_ =	shalt  }
0x62: {  	_ =	shalt  }
0x63: {  	_ =	shalt  }
0x64: {  	_ =	shalt  }
0x65: {  	_ =	shalt  }
0x66: {  	_ =	shalt  }
0x67: {  	_ =	shalt  }
0x68: {  	_ =	shalt  }
0x69: {  	_ =	shalt  }
0x6a: {  	_ =	shalt  }
0x6b: {  	_ =	shalt  }
0x6c: {  	_ =	shalt  }
0x6d: {  	_ =	shalt  }
0x6e: {  	_ =	shalt  }
0x6f: {  	_ =	shalt  }
0x70: {  	_ =	shalt  }
0x71: {  	_ =	shalt  }
0x72: {  	_ =	shalt  }
0x73: {  	_ =	shalt  }
0x74: {  	_ =	shalt  }
0x75: {  	_ =	shalt  }
0x76: {  	_ =	shalt  }
0x77: {  	_ =	shalt  }
0x78: {  	_ =	shalt  }
0x79: {  	_ =	shalt  }
0x7a: {  	_ =	shalt  }
0x7b: {  	_ =	shalt  }
0x7c: {  	_ =	shalt  }
0x7d: {  	_ =	shalt  }
0x7e: {  	_ =	shalt  }
0x7f: {  	_ =	shalt  }
0x80: {  	_ =	shalt  }
0x81: {  	_ =	shalt  }
0x82: {  	_ =	shalt  }
0x83: {  	_ =	shalt  }
0x84: {  	_ =	shalt  }
0x85: {  	_ =	shalt  }
0x86: {  	_ =	shalt  }
0x87: {  	_ =	shalt  }
.Lfunc_end0:
.L_simem_size_0:
called_computation.2_lowered:
.L_overlay_start_0:
0x88: {  	s2 =	sld [smem:$0x3FD9]  }
0x89: {  	s3 =	sld [smem:$0x3FFE];
	_ =	sdelay $0x1  }
0x8a: {  	s1 =	srdreg.scid  }
0x8b: {  	s0 =	sand.u32 $0x1, s1  }
0x8c: {  	s17 =	sshll.u32 s0, $0xA;
	s2 =	sadd.s32 s3, s2  }
0x8d: {  	s2 =	sadd.s32 s2, s17  }
0x8e: {  	[smem:$0x3FC5] =	sst s2  }
0x8f: {  	_ = 	snop  }
0x90: {  	s2 =	sld [smem:$0x3FD0];
	(tm) =	ssettm $0x1  }
0x91: {  	s18 =	sld [smem:$0x3FFB];
	_ =	sdelay $0x3  }
0x92: {  	_ =	strace s18  }
0x93: {  	s3 =	sld [smem:$0x3FFC];
	_ =	sdelay $0x3  }
0x94: {  	_ =	strace s3  }
0x95: {  	s3 =	sld [smem:$0x3FFD];
	_ =	sdelay $0x3  }
0x96: {  	_ =	strace s3  }
0x97: {  	_ =	strace $0x8FFFFFFF  }
0x98: {  	s19 =	sld [smem:$0x3FDB];
	_ =	sdelay $0x1  }
0x99: {  	s4 =	simm.s32 $_scs_section_size  }
0x9a: {  	s5 =	simm.s32 $_size__tile_overlayer_lowered;
	s6 =	simm.s32 $_tile_overlayer_lowered  }
0x9b: {  	s22 =	simm.s32 $0x1BFF;
	s21 =	sshll.u32 s6, $0x1;
	s3 =	sadd.s32 s4, s19  }
0x9c: {  	s7 =	simm.s32 $0x0;
	s20 =	sshll.u32 s5, $0x1;
	s5 =	sadd.s32 s21, s3  }
0x9d: {  	[timem:s7], [sflag:s22] =	dma.local [hbm:s5], s20  }
0x9e: {  	_ =	swait.ge [sflag:s22], s20  }
0x9f: {  	s4 =	ssub.s32 $0x0, s20;
	[sflag:s22] =	ssyncset.done $0x0  }
0xa0: {  	[sflag:s22] =	ssyncadd.s32 s4;
	_ =	sdelay $0x1  }
0xa1: {  	s23 =	simm.s32 $0x1B8B  }
0xa2: {  	_ =	swait.ge [sflag:s23], $0x1  }
0xa3: {  	[sflag:s23] =	ssyncset.done $0x0  }
0xa4: {  	s25 =	simm.s32 $0x1B8E;
	s24 =	sld [smem:$0x3FFE];
	[sflag:s23] =	ssyncadd.s32 $0xFFFFFFFF  }
0xa5: {  	s26 =	simm.s32 $execute0_lowered;
	[smem:$0x3FD2] =	sst s25  }
0xa6: {  	s5 =	sshll.u32 s26, $0x1;
	_ =	strace $0x8000004C;
	[dreg:$0x1] =	wrdreg $0xFFFFFFFF  }
0xa7: {  	s28 =	simm.s32 $_size_execute0_lowered;
	s3 =	sadd.s32 s3, s5;
	[dreg:$0x0] =	wrdreg $0x0  }
0xa8: {  	s5 =	sshll.u32 s28, $0x1;
	[dreg:$0x2] =	wrdreg s3  }
0xa9: {  	[dreg:$0x3] =	wrdreg s5  }
0xaa: {  	[dreg:$0x4] =	wrdreg $0xC0  }
0xab: {  	_ =	task [dreg:s7], $0x5FFFF  }
0xac: {  	[dreg:$0x1] =	wrdreg $0xFFFFFFFF  }
0xad: {  	[dreg:$0x0] =	wrdreg $0x60  }
0xae: {  	[dreg:$0x2] =	wrdreg s2  }
0xaf: {  	[dreg:$0x3] =	wrdreg s24  }
0xb0: {  	[dreg:$0x4] =	wrdreg $0xB8000  }
0xb1: {  	[dreg:$0x5] =	wrdreg $0x9  }
0xb2: {  	_ =	task.clear_ibuf [dreg:s7], $0x6FFFF;
	_ =	strace $0x9000004C  }
0xb3: {  	s29 =	simm.s32 $0x9;
	_ =	strace $0x8000004E  }
0xb4: {  	_ =	swait.ge [sflag:s29], $0x1  }
0xb5: {  	[sflag:s29] =	ssyncadd.s32 $0xFFFFFFFF  }
0xb6: {  	_ =	strace $0x9000004E  }
0xb7: {  	_ =	sfence  }
0xb8: {  	s30 =	sld [smem:$0x0];
	_ =	sdelay $0x2  }
0xb9: {  	s31 =	sshll.u32 s1, $0xD;
	s1 =	sshrl.u32 s1, $0x2  }
0xba: {  	s3 =	sand.u32 $0x4000, s31;
	s1 =	sadd.s32 s1, s30  }
0xbb: {  	s0 =	sor.u32 s3, s0;
	s1 =	sshll.u32 s1, $0x11  }
0xbc: {  	s0 =	sor.u32 s1, s0  }
0xbd: {  	s0 =	sadd.s32 $0x8F2B, s0  }
0xbe: {  	[sflag:s0] =	ssyncadd.remote.s32 $0x1  }
0xbf: {  	_ =	sfence.sel $0xFFFF  }
0xc0: {  	[dreg:$0x0] =	wrdreg $0xFFFFFFFF;
	(pc) =	sbr.abs _section_cstart, $3  }
0xc1: {  	[dreg:$0x1] =	wrdreg $0xFFFFFFFF  }
0xc2: {  	_ =	task.clear_ibuf [dreg:s7], $0x2FFFF;
	_ =	strace $0x9FFFFFFF  }
0xc3: {  	(tm) =	ssettm $0x7FFFFFFF  }
tec
execute0_lowered:
.L_overlay_start_1:
0x0: {  	(tag) =	ssettag $0x1  }
0x1: {  	s5 =	rddreg [dreg:$0x0]  }
0x2: {  	s1 =	srdreg.scid;
	s7 =	rddreg [dreg:$0x1]  }
0x3: {  	s0 =	stileid.u32;
	s2 =	rddreg [dreg:$0x2]  }
0x4: {  	s3 =	simm.s32 $0x0;
	s16 =	simm.s32 $0x40;
	s17 =	simm.s32 $0x7800  }
0x5: {  	s18 =	simm.s32 $0x9800;
	s19 =	simm.s32 $0x1;
	s20 =	simm.s32 $0x2  }
0x6: {  	s21 =	simm.s32 $0x80;
	s22 =	simm.s32 $0x0;
	s6 =	sand.u32 $0x1, s1  }
0x7: {  	s29 =	sshll.u32 s0, $0x1;
	s9 =	smul.u32 $0x13C00, s0;
	[smem:$0x7FF] =	sst s3  }
0x8: {  	s4 =	sadd.s32 $0x16000, s7;
	s13 =	smul.u32 $0x4F000, s0;
	s14 =	sshll.u32 s0, $0x6  }
0x9: {  	s1 =	sor.u32 s6, s29;
	s10 =	smul.u32 $0x13C000, s6;
	s6 =	ssub.s32 $0x2, s6  }
0xa: {  	s14 =	sor.u32 $0x1C03, s14;
	s8 =	smul.u32 $0x500, s1;
	s1 =	rddreg [dreg:$0x3]  }
0xb: {  	_ =	strace $0x8000004D;
	s12 =	sshrl.u32 s9, $0x3;
	s30 =	sshrl.u32 s6, $0x1  }
0xc: {  	s31 =	sshrl.u32 s13, $0x2;
	s13 =	simm.s32 $0x5000;
	s9 =	sadd.s32 s9, s10  }
0xd: {  	s12 =	sadd.s32 s12, s7;
	s10 =	ssub.s32 s6, s30;
	s15 =	sadd.s32 s31, s2  }
0xe: {  	s11 =	sadd.s32 s8, s7;
	s9 =	sshrl.u32 s9, $0x3;
	s5 =	sadd.s32 s5, s8  }
0xf: {  	s8 =	sadd.s32 $0x3D800, s12;
	s10 =	smax.u32 s10, $0x1;
	s12 =	simm.s32 $0x2800  }
0x10: {  	s15 =	sshrl.u32 s15, $0x3;
	s9 =	sadd.s32 s9, s7;
	s6 =	sadd.s32 $0xC000, s11  }
0x11: {  	s7 =	sadd.s32 $0x2000, s11;
	s11 =	simm.s32 $0x3;
	s9 =	sadd.s32 $0x65000, s9  }
.LBB2_1:
0x12: {  	[tilespmem:s3], [sflag:$0x3] =	stream.linear.gather [hbm4b:s5+s3], $0x2780, $0x38;
	[tilespmem:$0x1F400] =	vst v63  }
0x13: {  	_ =	swait.ge [sflag:s11], $0x2780  }
0x14: {  	[sflag:s11] =	ssyncset.done $0x0  }
0x15: {  	[sflag:s11] =	ssyncadd.s32 $0xFFFFD880  }
0x16: {  	[tilespmem:s12], [sflag:$0x3] =	stream.linear.gather [hbm4b:s6+s3], $0x2780, $0x38;
	[tilespmem:$0x1F400] =	vst v63  }
0x17: {  	_ =	swait.ge [sflag:s11], $0x2780  }
0x18: {  	[sflag:s11] =	ssyncset.done $0x0  }
0x19: {  	[sflag:s11] =	ssyncadd.s32 $0xFFFFD880  }
0x1a: {  	[tilespmem:s13], [sflag:$0x3] =	stream.linear.gather [hbm4b:s7+s3], $0x2780, $0x38;
	[tilespmem:$0x1F400] =	vst v63  }
0x1b: {  	_ =	swait.ge [sflag:s11], $0x2780  }
0x1c: {  	[sflag:s11] =	ssyncset.done $0x0  }
0x1d: {  	[sflag:s11] =	ssyncadd.s32 $0xFFFFD880  }
0x1e: {  	[spmem:s15], [sflag:s14] =	dma.local [hbm:s8], $0x2780  }
0x1f: {  	_ =	swait.ge [sflag:s11], $0x2780  }
0x20: {  	[sflag:s11] =	ssyncset.done $0x0  }
0x21: {  	[sflag:s11] =	ssyncadd.s32 $0xFFFFD880  }
0x22: {  	s23 =	simm.s32 $0x0;
	[bflag:$0x0] =	sbarrier.arrive $0xFFFF  }
.LBB2_2:
0x23: {  	s24 =	sshll.u32 s23, $0x7  }
0x24: {  	s25 =	sadd.s32 $0x2800, s24  }
0x25: {  	[tilespmem:s17], [sflag:$0x1] =	stream.indirect.gather [hbm4b:s4+s16], $0x80, s25, s16, $0xb8;
	[tilespmem:$0x1F400] =	vst v63  }
0x26: {  	s31 =	simm.s32 $0x0;
	s30 =	sadd.s32 $0x2840, s24  }
0x27: {  	v0 =	vmov s31;
	[tilespmem:s18], [sflag:$0x2] =	stream.indirect.gather [hbm4b:s4+s16], $0x80, s30, s16, $0xb8;
	[tilespmem:$0x1F400] =	vst v63  }
0x28: {  	v0 =	vand.u32 $0xFFFFFFFE, v0;
	_ =	swait.ge [sflag:s19], $0x2000  }
0x29: {  	v1 =	vbroadcast v0, $0x0;
	[sflag:s19] =	ssyncset.done $0x0  }
0x2a: {  	[sflag:s19] =	ssyncadd.s32 $0xFFFFE000  }
0x2b: {  	_ =	swait.ge [sflag:s20], $0x2000  }
0x2c: {  	[sflag:s20] =	ssyncset.done $0x0  }
0x2d: {  	s25 =	simm.s32 $0x7880;
	[sflag:s20] =	ssyncadd.s32 $0xFFFFE000  }
0x2e: {  	s26 =	sadd.s32 $0x5000, s24;
	v4 =	vld [tilespmem:s25+$0xFFFFFFF0]  }
0x2f: {  	v5 =	vld.idx.msk [tilespmem:v1+s26+$0x0], $0xffff  }
0x30: {  	v6 =	vld [tilespmem:s25+$0xFFFFFF80]  }
0x31: {  	v7 =	vld [tilespmem:s25+$0xFFFFFFA0]  }
0x32: {  	v3 =	vld [tilespmem:s25+$0xFFFFFFB0]  }
0x33: {  	v2 =	vld [tilespmem:s25+$0xFFFFFFD0]  }
0x34: {  	v9 =	vld [tilespmem:s25+$0xFFFFFF90];
	v4 =	vmul.f32 v4, v5  }
0x35: {  	v8 =	vld [tilespmem:s25+$0xFFFFFFE0];
	v6 =	vmul.f32 v6, v5  }
0x36: {  	v10 =	vld [tilespmem:s25+$0xFFFFFFC0];
	v7 =	vmul.f32 v7, v5;
	[tilespmem:s25+$0xFFFFFFF0] =	vst v4  }
0x37: {  	v3 =	vmul.f32 v3, v5;
	[tilespmem:s25+$0xFFFFFF80] =	vst v6  }
0x38: {  	s28 =	simm.s32 $0x1;
	v2 =	vmul.f32 v2, v5;
	[tilespmem:s25+$0xFFFFFFA0] =	vst v7  }
0x39: {  	v4 =	vmul.f32 v9, v5;
	[tilespmem:s25+$0xFFFFFFB0] =	vst v3;
	v6 =	vmov s28  }
0x3a: {  	v0 =	vld [tilespmem:s25+$0x0];
	v3 =	vmul.f32 v8, v5;
	[tilespmem:s25+$0xFFFFFFD0] =	vst v2  }
0x3b: {  	v1 =	vld [tilespmem:s25+$0x10];
	v2 =	vmul.f32 v10, v5;
	[tilespmem:s25+$0xFFFFFF90] =	vst v4  }
0x3c: {  	[tilespmem:s25+$0xFFFFFFE0] =	vst v3;
	v4 =	vld [tilespmem:s25+$0x30]  }
0x3d: {  	[tilespmem:s25+$0xFFFFFFC0] =	vst v2;
	v3 =	vld [tilespmem:s25+$0x70]  }
0x3e: {  	s29 =	simm.s32 $0x7880;
	s28 =	simm.s32 $0x2;
	v2 =	vld.idx.msk [tilespmem:v6+s26+$0x0], $0xffff  }
.LBB2_3:
0x3f: {  	p0 =	slt.u32 s28, $0x7E  }
0x40: {  	v5 =	vld [tilespmem:s25+$0x20];
	s29 =	sadd.s32 $0x100, s29;
	s30 =	smov.u32 s28;
	s28 =	sadd.s32 $0x2, s28  }
0x41: {  	v6 =	vld [tilespmem:s25+$0x40]  }
0x42: {  	v7 =	vld [tilespmem:s25+$0x50]  }
0x43: {  	v8 =	vld [tilespmem:s25+$0x60];
	_ =	sdelay $0x1  }
0x44: {  	v0 =	vmul.f32 v0, v2;
	v1 =	vmul.f32 v1, v2  }
0x45: {  	v4 =	vmul.f32 v4, v2;
	v5 =	vmul.f32 v5, v2  }
0x46: {  	v9 =	vmov s30;
	v6 =	vmul.f32 v6, v2;
	[tilespmem:s25+$0x0] =	vst v0;
	v7 =	vmul.f32 v7, v2  }
0x47: {  	v9 =	vand.u32 $0xFFFFFFFE, v9;
	v0 =	vld [tilespmem:s29+$0x0];
	[tilespmem:s25+$0x30] =	vst v4;
	v4 =	vmul.f32 v8, v2;
	v2 =	vmul.f32 v3, v2  }
0x48: {  	v3 =	vbroadcast v9, $0x0;
	[tilespmem:s25+$0x10] =	vst v1  }
0x49: {  	[tilespmem:s25+$0x70] =	vst v2  }
0x4a: {  	v2 =	vld [tilespmem:s29+$0xFFFFFFD0];
	[tilespmem:s25+$0x20] =	vst v5  }
0x4b: {  	v5 =	vld [tilespmem:s29+$0xFFFFFFB0];
	[tilespmem:s25+$0x60] =	vst v4  }
0x4c: {  	v4 =	vld [tilespmem:s29+$0xFFFFFFE0];
	[tilespmem:s25+$0x40] =	vst v6  }
0x4d: {  	v6 =	vld [tilespmem:s29+$0xFFFFFFF0];
	[tilespmem:s25+$0x50] =	vst v7;
	s25 =	smov.u32 s29  }
0x4e: {  	v3 =	vld.idx.msk [tilespmem:v3+s26+$0x0], $0xffff  }
0x4f: {  	v7 =	vld [tilespmem:s29+$0xFFFFFF80]  }
0x50: {  	v8 =	vld [tilespmem:s29+$0xFFFFFFA0]  }
0x51: {  	v9 =	vld [tilespmem:s29+$0xFFFFFF90]  }
0x52: {  	v10 =	vld [tilespmem:s29+$0xFFFFFFC0]  }
0x53: {  	v1 =	vld [tilespmem:s29+$0x10]  }
0x54: {  	v6 =	vmul.f32 v6, v3;
	v7 =	vmul.f32 v7, v3  }
0x55: {  	v4 =	vmul.f32 v4, v3;
	v8 =	vmul.f32 v8, v3  }
0x56: {  	v5 =	vmul.f32 v5, v3;
	v9 =	vmul.f32 v9, v3;
	[tilespmem:s29+$0xFFFFFFF0] =	vst v6  }
0x57: {  	v2 =	vmul.f32 v2, v3;
	[tilespmem:s29+$0xFFFFFF80] =	vst v7;
	v6 =	vmul.f32 v10, v3  }
0x58: {  	s30 =	sadd.s32 $0x1, s30;
	[tilespmem:s29+$0xFFFFFFA0] =	vst v8  }
0x59: {  	[tilespmem:s29+$0xFFFFFFB0] =	vst v5;
	v5 =	vmov s30  }
.Ltmp0:
0x5a: {  	[tilespmem:s29+$0xFFFFFFD0] =	vst v2;
	(pc) =	sbr.rel @p0 .LBB2_3-.Ltmp0, $4  }
0x5b: {  	[tilespmem:s29+$0xFFFFFF90] =	vst v9  }
0x5c: {  	[tilespmem:s29+$0xFFFFFFE0] =	vst v4;
	v4 =	vld [tilespmem:s29+$0x30]  }
0x5d: {  	[tilespmem:s29+$0xFFFFFFC0] =	vst v6;
	v3 =	vld [tilespmem:s29+$0x70]  }
0x5e: {  	v2 =	vld.idx.msk [tilespmem:v5+s26+$0x0], $0xffff  }
0x5f: {  	_ =	sdelay $0x2  }
0x60: {  	v5 =	vld [tilespmem:s25+$0x20]  }
0x61: {  	v6 =	vld [tilespmem:s25+$0x60];
	v0 =	vmul.f32 v0, v2  }
0x62: {  	v7 =	vld [tilespmem:s25+$0x40];
	v4 =	vmul.f32 v4, v2  }
0x63: {  	v8 =	vld [tilespmem:s25+$0x50];
	v1 =	vmul.f32 v1, v2;
	[tilespmem:s25+$0x0] =	vst v0  }
0x64: {  	v59 =	vmul.f32 v3, v2;
	[tilespmem:s25+$0x30] =	vst v4  }
0x65: {  	v60 =	vmul.f32 v5, v2;
	[tilespmem:s25+$0x10] =	vst v1  }
0x66: {  	v61 =	vmul.f32 v6, v2;
	[tilespmem:s25+$0x70] =	vst v59  }
0x67: {  	v62 =	vmul.f32 v7, v2;
	[tilespmem:s25+$0x20] =	vst v60  }
0x68: {  	s23 =	sadd.s32 $0x1, s23;
	v63 =	vmul.f32 v8, v2;
	[tilespmem:s25+$0x60] =	vst v61  }
0x69: {  	p0 =	sne.s32 s23, $0x4F;
	[tilespmem:s25+$0x40] =	vst v62  }
.Ltmp1:
0x6a: {  	[tilespmem:s25+$0x50] =	vst v63;
	(pc) =	sbr.rel @p0 .LBB2_2-.Ltmp1, $4  }
0x6b: {  	[spmem:s2] =	stream.indirect.scatter.add.f32 [tilespmem:s17], [sflag:$0x3], $0x80, s24, s21, $0xb8;
	[tilespmem:$0x1F400] =	vst v63  }
0x6c: {  	_ =	swait.ge [sflag:s11], $0x4000  }
0x6d: {  	[sflag:s11] =	ssyncset.done $0x0  }
0x6e: {  	[sflag:s11] =	ssyncadd.s32 $0xFFFFC000  }
0x6f: {  	s22 =	sadd.s32 $0x1, s22  }
0x70: {  	p0 =	sne.s32 s22, s10  }
.Ltmp2:
0x71: {  	[bflag:$0x0] =	sbarrier.arrive $0xFFFF;
	(pc) =	sbr.rel @p0 .LBB2_1-.Ltmp2, $4  }
0x72: {  	[hbm:s9], [sflag:s14] =	dma.local [spmem:s15], $0x2780  }
0x73: {  	_ =	swait.ge [sflag:s11], $0x2780  }
0x74: {  	[sflag:s11] =	ssyncset.done $0x0  }
0x75: {  	[sflag:s11] =	ssyncadd.s32 $0xFFFFD880  }
0x76: {  	_ =	sfence.sel $0x180000  }
0x77: {  	[bflag:$0x0] =	sbarrier.arrive $0xFFFF  }
0x78: {  	p0 =	sne.s32 s0, $0x0;
	_ =	strace $0x9000004D  }
0x79: {  	s0 =	sadd.s32 @!p0 $0x100000, s1;
	[bflag:$0x2] =	sbarrier.arrive $0xFFFF  }
0x7a: {  	[sflag:s0] =	ssyncadd.tile.s32 @!p0 $0x1;
	_ =	shalt  }
.Lfunc_end2:
_tile_overlayer_lowered:
.L_overlay_start_2:
0x7b: {  	(tag) =	ssettag $0x2  }
0x7c: {  	s0 =	rddreg [dreg:$0x0];
	s2 =	stileid.u32  }
0x7d: {  	s1 =	rddreg [dreg:$0x1];
	p0 =	sne.s32 s2, $0x0  }
0x7e: {  	s3 =	rddreg [dreg:$0x2];
	[bflag:$0x3] =	sbarrier.arrive $0xFFFF;
	s2 =	simm.s32 @!p0 $0x1C03  }
0x7f: {  	[timem:s3], [sflag:s2] =	dma.local @!p0 [hbm:s0], s1  }
0x80: {  	s0 =	simm.s32 @!p0 $0x3  }
0x81: {  	_ =	swait.ge @!p0 [sflag:s0], s1  }
0x82: {  	s1 =	ssub.s32 @!p0 $0x0, s1;
	[sflag:s0] =	ssyncset.done @!p0 $0x0  }
0x83: {  	[sflag:s0] =	ssyncadd.s32 @!p0 s1  }
0x84: {  	[bflag:$0x3] =	sbarrier.arrive $0xFFFF  }
0x85: {  	_ =	shalt  }

// kernel: kernel.8.cloned.1.call-start
scs
__scs_entry_jumppad:
0x0: {  	(pc) =	sbr.rel $0x88, $3  }
0x1: {  	(tag) =	ssettag $0x0;
	lr =	simm.s32 $0x1  }
0x2: {  	[smem:$0x3F9E] =	sst lr;
	_ =	strace $0xD0000000  }
0x3: {  	_ = 	snop  }
0x4: {  	_ = 	snop  }
0x5: {  	_ = 	snop  }
0x6: {  	_ = 	snop  }
0x7: {  	_ = 	snop  }
__scs_overlays_trampoline_lowered:
0x8: {  	[smem:$0x3FAD] =	sst s0  }
0x9: {  	[smem:$0x3FAE] =	sst s1  }
0xa: {  	[smem:$0x3FAF] =	sst s2  }
0xb: {  	[smem:$0x3FB0] =	sst s3  }
0xc: {  	[smem:$0x3FB1] =	sst s4  }
0xd: {  	[smem:$0x3FB2] =	sst s5  }
0xe: {  	[smem:$0x3FB3] =	sst s6  }
0xf: {  	[smem:$0x3FB4] =	sst s7  }
0x10: {  	[smem:$0x3FB5] =	sst s8  }
0x11: {  	[smem:$0x3FB6] =	sst s9;
	s0 =	simm.s32 @!p0 $0x0  }
0x12: {  	s1 =	sld [smem:$0x3F9C];
	s0 =	simm.s32 @p0 $0x1  }
0x13: {  	[smem:$0x3FB7] =	sst s0;
	s0 =	simm.s32 @!p1 $0x0  }
0x14: {  	s2 =	sld [smem:$0x3F9B];
	s0 =	simm.s32 @p1 $0x1  }
0x15: {  	[smem:$0x3FB8] =	sst s0;
	s0 =	simm.s32 @!p2 $0x0  }
0x16: {  	s3 =	sld [smem:$0x3FDB];
	s0 =	simm.s32 @p2 $0x1  }
0x17: {  	s4 =	simm.s32 $0x1BF5;
	[smem:$0x3FBA] =	sst s0  }
0x18: {  	s0 =	sld [smem:$0x3F9D];
	_ =	swait.ge [sflag:s4], $0x0  }
0x19: {  	s7 =	sld [smem:$0x3F9E]  }
0x1a: {  	s8 =	sadd.s32 $0xFFFFE003, lr  }
0x1b: {  	s9 =	sadd.s32 $0xFFFFFEF7, lr;
	s5 =	simm.s32 $0xFFFFFFFF;
	p2 =	slt.u32 s8, $0xFFFFF086  }
0x1c: {  	p1 =	slt.u32 s9, $0xF7A;
	s5 =	simm.s32 @!p2 $0x0  }
0x1d: {  	s5 =	simm.s32 @p1 $0x1;
	p0 =	seq.s32 s7, s2  }
0x1e: {  	s7 =	smul.u32 @!p0 $0xF7A, s2;
	p2 =	seq.s32 @!p0 s5, $0x0  }
0x1f: {  	s9 =	smul.u32 $0xF7A, s1;
	s8 =	simm.s32 @!p0 $0x1BF5;
	p2 =	por !p2, p0  }
0x20: {  	[sflag:s8] =	ssyncset.s32 @!p0 $0xFFFFF086;
	s6 =	sadd.s32 @!p0 s3, s7;
	s7 =	simm.s32 @!p0 $0x108  }
0x21: {  	s3 =	sadd.s32 s3, s9;
	s6 =	sadd.s32 @!p0 $0x88, s6;
	s7 =	simm.s32 @p2 $0x1082  }
0x22: {  	[simem:s7], [sflag:s8] =	dma.local @!p0 [hbm:s6], $0xF7A  }
0x23: {  	s9 =	sor.u32 $0xD0000000, s2;
	s6 =	simm.s32 $0x108;
	_ =	swait.ge @!p0 [sflag:s8], $0x0  }
0x24: {  	s3 =	sadd.s32 $0x88, s3;
	s6 =	simm.s32 @!p1 $0x1082;
	[sflag:s4] =	ssyncset.s32 $0xFFFFF086  }
0x25: {  	[simem:s6], [sflag:s4] =	dma.local [hbm:s3], $0xF7A  }
0x26: {  	[smem:$0x3F9E] =	sst s1;
	(tag) =	ssettag s2;
	_ =	strace s9  }
0x27: {  	s1 =	sld [smem:$0x3FAE]  }
0x28: {  	s2 =	sld [smem:$0x3FAF]  }
0x29: {  	s4 =	sld [smem:$0x3FB1]  }
0x2a: {  	p0 =	seq.s32 s5, $0x0;
	s5 =	sld [smem:$0x3FB2]  }
0x2b: {  	s6 =	sld [smem:$0x3FB3]  }
0x2c: {  	s7 =	sld [smem:$0x3FB4]  }
0x2d: {  	s3 =	simm.s32 $0x108;
	s8 =	sld [smem:$0x3FB5]  }
0x2e: {  	s3 =	simm.s32 @!p0 $0x1082;
	s9 =	sld [smem:$0x3FB6]  }
0x2f: {  	lr =	sadd.s32 s0, s3;
	s0 =	sld [smem:$0x3FAD]  }
0x30: {  	s3 =	sld [smem:$0x3FB0]  }
0x31: {  	[smem:$0x3FB9] =	sst s10  }
0x32: {  	s10 =	sld [smem:$0x3FB7];
	_ =	sdelay $0x3  }
0x33: {  	p0 =	seq.s32 s10, $0x1;
	s10 =	sld [smem:$0x3FB9];
	_ =	sdelay $0x3  }
0x34: {  	[smem:$0x3FB9] =	sst s10  }
0x35: {  	s10 =	sld [smem:$0x3FB8];
	_ =	sdelay $0x3  }
0x36: {  	p1 =	seq.s32 s10, $0x1;
	s10 =	sld [smem:$0x3FB9];
	_ =	sdelay $0x3  }
0x37: {  	[smem:$0x3FB9] =	sst s10  }
0x38: {  	s10 =	sld [smem:$0x3FBA]  }
0x39: {  	_ = 	snop;
	(pc) =	sbr.ind lr, $3  }
0x3a: {  	_ = 	snop  }
0x3b: {  	_ = 	snop  }
0x3c: {  	p2 =	seq.s32 s10, $0x1;
	s10 =	sld [smem:$0x3FB9]  }
0x3d: {  	_ =	shalt  }
0x3e: {  	_ =	shalt  }
0x3f: {  	_ =	shalt  }
0x40: {  	_ =	shalt  }
0x41: {  	_ =	shalt  }
0x42: {  	_ =	shalt  }
0x43: {  	_ =	shalt  }
0x44: {  	_ =	shalt  }
0x45: {  	_ =	shalt  }
0x46: {  	_ =	shalt  }
0x47: {  	_ =	shalt  }
0x48: {  	_ =	shalt  }
0x49: {  	_ =	shalt  }
0x4a: {  	_ =	shalt  }
0x4b: {  	_ =	shalt  }
0x4c: {  	_ =	shalt  }
0x4d: {  	_ =	shalt  }
0x4e: {  	_ =	shalt  }
0x4f: {  	_ =	shalt  }
0x50: {  	_ =	shalt  }
0x51: {  	_ =	shalt  }
0x52: {  	_ =	shalt  }
0x53: {  	_ =	shalt  }
0x54: {  	_ =	shalt  }
0x55: {  	_ =	shalt  }
0x56: {  	_ =	shalt  }
0x57: {  	_ =	shalt  }
0x58: {  	_ =	shalt  }
0x59: {  	_ =	shalt  }
0x5a: {  	_ =	shalt  }
0x5b: {  	_ =	shalt  }
0x5c: {  	_ =	shalt  }
0x5d: {  	_ =	shalt  }
0x5e: {  	_ =	shalt  }
0x5f: {  	_ =	shalt  }
0x60: {  	_ =	shalt  }
0x61: {  	_ =	shalt  }
0x62: {  	_ =	shalt  }
0x63: {  	_ =	shalt  }
0x64: {  	_ =	shalt  }
0x65: {  	_ =	shalt  }
0x66: {  	_ =	shalt  }
0x67: {  	_ =	shalt  }
0x68: {  	_ =	shalt  }
0x69: {  	_ =	shalt  }
0x6a: {  	_ =	shalt  }
0x6b: {  	_ =	shalt  }
0x6c: {  	_ =	shalt  }
0x6d: {  	_ =	shalt  }
0x6e: {  	_ =	shalt  }
0x6f: {  	_ =	shalt  }
0x70: {  	_ =	shalt  }
0x71: {  	_ =	shalt  }
0x72: {  	_ =	shalt  }
0x73: {  	_ =	shalt  }
0x74: {  	_ =	shalt  }
0x75: {  	_ =	shalt  }
0x76: {  	_ =	shalt  }
0x77: {  	_ =	shalt  }
0x78: {  	_ =	shalt  }
0x79: {  	_ =	shalt  }
0x7a: {  	_ =	shalt  }
0x7b: {  	_ =	shalt  }
0x7c: {  	_ =	shalt  }
0x7d: {  	_ =	shalt  }
0x7e: {  	_ =	shalt  }
0x7f: {  	_ =	shalt  }
0x80: {  	_ =	shalt  }
0x81: {  	_ =	shalt  }
0x82: {  	_ =	shalt  }
0x83: {  	_ =	shalt  }
0x84: {  	_ =	shalt  }
0x85: {  	_ =	shalt  }
0x86: {  	_ =	shalt  }
0x87: {  	_ =	shalt  }
.Lfunc_end0:
.L_simem_size_0:
called_computation_lowered:
.L_overlay_start_0:
0x88: {  	s2 =	sld [smem:$0x3FD9]  }
0x89: {  	s3 =	sld [smem:$0x3FFE];
	_ =	sdelay $0x1  }
0x8a: {  	s1 =	srdreg.scid  }
0x8b: {  	s0 =	sand.u32 $0x1, s1  }
0x8c: {  	s17 =	sshll.u32 s0, $0xA;
	s2 =	sadd.s32 s3, s2  }
0x8d: {  	s2 =	sadd.s32 s2, s17  }
0x8e: {  	[smem:$0x3FC5] =	sst s2  }
0x8f: {  	_ = 	snop  }
0x90: {  	s2 =	sld [smem:$0x3FD0];
	(tm) =	ssettm $0x1  }
0x91: {  	s18 =	sld [smem:$0x3FFB];
	_ =	sdelay $0x3  }
0x92: {  	_ =	strace s18  }
0x93: {  	s3 =	sld [smem:$0x3FFC];
	_ =	sdelay $0x3  }
0x94: {  	_ =	strace s3  }
0x95: {  	s3 =	sld [smem:$0x3FFD];
	_ =	sdelay $0x3  }
0x96: {  	_ =	strace s3  }
0x97: {  	_ =	strace $0x8FFFFFFF  }
0x98: {  	s19 =	sld [smem:$0x3FDB];
	_ =	sdelay $0x1  }
0x99: {  	s4 =	simm.s32 $_scs_section_size  }
0x9a: {  	s5 =	simm.s32 $_size__tile_overlayer_lowered;
	s6 =	simm.s32 $_tile_overlayer_lowered  }
0x9b: {  	s22 =	simm.s32 $0x1BFF;
	s21 =	sshll.u32 s6, $0x1;
	s3 =	sadd.s32 s4, s19  }
0x9c: {  	s7 =	simm.s32 $0x0;
	s20 =	sshll.u32 s5, $0x1;
	s5 =	sadd.s32 s21, s3  }
0x9d: {  	[timem:s7], [sflag:s22] =	dma.local [hbm:s5], s20  }
0x9e: {  	_ =	swait.ge [sflag:s22], s20  }
0x9f: {  	s4 =	ssub.s32 $0x0, s20;
	[sflag:s22] =	ssyncset.done $0x0  }
0xa0: {  	[sflag:s22] =	ssyncadd.s32 s4;
	_ =	sdelay $0x1  }
0xa1: {  	s23 =	simm.s32 $0x1B8B  }
0xa2: {  	_ =	swait.ge [sflag:s23], $0x1  }
0xa3: {  	[sflag:s23] =	ssyncset.done $0x0  }
0xa4: {  	s25 =	simm.s32 $0x1B8E;
	s24 =	sld [smem:$0x3FFE];
	[sflag:s23] =	ssyncadd.s32 $0xFFFFFFFF  }
0xa5: {  	s26 =	simm.s32 $execute0_lowered;
	[smem:$0x3FD2] =	sst s25  }
0xa6: {  	s5 =	sshll.u32 s26, $0x1;
	_ =	strace $0x80000046;
	[dreg:$0x1] =	wrdreg $0xFFFFFFFF  }
0xa7: {  	s28 =	simm.s32 $_size_execute0_lowered;
	s3 =	sadd.s32 s3, s5;
	[dreg:$0x0] =	wrdreg $0x0  }
0xa8: {  	s5 =	sshll.u32 s28, $0x1;
	[dreg:$0x2] =	wrdreg s3  }
0xa9: {  	[dreg:$0x3] =	wrdreg s5  }
0xaa: {  	[dreg:$0x4] =	wrdreg $0xC0  }
0xab: {  	_ =	task [dreg:s7], $0x5FFFF  }
0xac: {  	[dreg:$0x1] =	wrdreg $0xFFFFFFFF  }
0xad: {  	[dreg:$0x0] =	wrdreg $0x60  }
0xae: {  	[dreg:$0x2] =	wrdreg s2  }
0xaf: {  	[dreg:$0x3] =	wrdreg s24  }
0xb0: {  	[dreg:$0x4] =	wrdreg $0xB8000  }
0xb1: {  	[dreg:$0x5] =	wrdreg $0x9  }
0xb2: {  	_ =	task.clear_ibuf [dreg:s7], $0x6FFFF;
	_ =	strace $0x90000046  }
0xb3: {  	s29 =	simm.s32 $0x9;
	_ =	strace $0x80000048  }
0xb4: {  	_ =	swait.ge [sflag:s29], $0x1  }
0xb5: {  	[sflag:s29] =	ssyncadd.s32 $0xFFFFFFFF  }
0xb6: {  	_ =	strace $0x90000048  }
0xb7: {  	_ =	sfence  }
0xb8: {  	s30 =	sld [smem:$0x0];
	_ =	sdelay $0x2  }
0xb9: {  	s31 =	sshll.u32 s1, $0xD;
	s1 =	sshrl.u32 s1, $0x2  }
0xba: {  	s3 =	sand.u32 $0x4000, s31;
	s1 =	sadd.s32 s1, s30  }
0xbb: {  	s0 =	sor.u32 s3, s0;
	s1 =	sshll.u32 s1, $0x11  }
0xbc: {  	s0 =	sor.u32 s1, s0  }
0xbd: {  	s0 =	sadd.s32 $0x8F2B, s0  }
0xbe: {  	[sflag:s0] =	ssyncadd.remote.s32 $0x1  }
0xbf: {  	_ =	sfence.sel $0xFFFF  }
0xc0: {  	[dreg:$0x0] =	wrdreg $0xFFFFFFFF;
	(pc) =	sbr.abs _section_cstart, $3  }
0xc1: {  	[dreg:$0x1] =	wrdreg $0xFFFFFFFF  }
0xc2: {  	_ =	task.clear_ibuf [dreg:s7], $0x2FFFF;
	_ =	strace $0x9FFFFFFF  }
0xc3: {  	(tm) =	ssettm $0x7FFFFFFF  }
tec
execute0_lowered:
.L_overlay_start_1:
0x0: {  	(tag) =	ssettag $0x1  }
0x1: {  	s5 =	rddreg [dreg:$0x0]  }
0x2: {  	s1 =	srdreg.scid;
	s7 =	rddreg [dreg:$0x1]  }
0x3: {  	s0 =	stileid.u32;
	s2 =	rddreg [dreg:$0x2]  }
0x4: {  	s3 =	simm.s32 $0x0;
	s16 =	simm.s32 $0x40;
	s17 =	simm.s32 $0x7800  }
0x5: {  	s18 =	simm.s32 $0x9800;
	s19 =	simm.s32 $0x1;
	s20 =	simm.s32 $0x2  }
0x6: {  	s21 =	simm.s32 $0x80;
	s22 =	simm.s32 $0x0;
	s6 =	sand.u32 $0x1, s1  }
0x7: {  	s29 =	sshll.u32 s0, $0x1;
	s9 =	smul.u32 $0x13C00, s0;
	[smem:$0x7FF] =	sst s3  }
0x8: {  	s4 =	sadd.s32 $0x16000, s7;
	s13 =	smul.u32 $0x4F000, s0;
	s14 =	sshll.u32 s0, $0x6  }
0x9: {  	s1 =	sor.u32 s6, s29;
	s10 =	smul.u32 $0x13C000, s6;
	s6 =	ssub.s32 $0x2, s6  }
0xa: {  	s14 =	sor.u32 $0x1C03, s14;
	s8 =	smul.u32 $0x500, s1;
	s1 =	rddreg [dreg:$0x3]  }
0xb: {  	_ =	strace $0x80000047;
	s12 =	sshrl.u32 s9, $0x3;
	s30 =	sshrl.u32 s6, $0x1  }
0xc: {  	s31 =	sshrl.u32 s13, $0x2;
	s13 =	simm.s32 $0x5000;
	s9 =	sadd.s32 s9, s10  }
0xd: {  	s12 =	sadd.s32 s12, s7;
	s10 =	ssub.s32 s6, s30;
	s15 =	sadd.s32 s31, s2  }
0xe: {  	s11 =	sadd.s32 s8, s7;
	s9 =	sshrl.u32 s9, $0x3;
	s5 =	sadd.s32 s5, s8  }
0xf: {  	s8 =	sadd.s32 $0x3D800, s12;
	s10 =	smax.u32 s10, $0x1;
	s12 =	simm.s32 $0x2800  }
0x10: {  	s15 =	sshrl.u32 s15, $0x3;
	s9 =	sadd.s32 s9, s7;
	s6 =	sadd.s32 $0xC000, s11  }
0x11: {  	s7 =	sadd.s32 $0x2000, s11;
	s11 =	simm.s32 $0x3;
	s9 =	sadd.s32 $0x65000, s9  }
.LBB2_1:
0x12: {  	[tilespmem:s3], [sflag:$0x3] =	stream.linear.gather [hbm4b:s5+s3], $0x2780, $0x38;
	[tilespmem:$0x1F400] =	vst v63  }
0x13: {  	_ =	swait.ge [sflag:s11], $0x2780  }
0x14: {  	[sflag:s11] =	ssyncset.done $0x0  }
0x15: {  	[sflag:s11] =	ssyncadd.s32 $0xFFFFD880  }
0x16: {  	[tilespmem:s12], [sflag:$0x3] =	stream.linear.gather [hbm4b:s6+s3], $0x2780, $0x38;
	[tilespmem:$0x1F400] =	vst v63  }
0x17: {  	_ =	swait.ge [sflag:s11], $0x2780  }
0x18: {  	[sflag:s11] =	ssyncset.done $0x0  }
0x19: {  	[sflag:s11] =	ssyncadd.s32 $0xFFFFD880  }
0x1a: {  	[tilespmem:s13], [sflag:$0x3] =	stream.linear.gather [hbm4b:s7+s3], $0x2780, $0x38;
	[tilespmem:$0x1F400] =	vst v63  }
0x1b: {  	_ =	swait.ge [sflag:s11], $0x2780  }
0x1c: {  	[sflag:s11] =	ssyncset.done $0x0  }
0x1d: {  	[sflag:s11] =	ssyncadd.s32 $0xFFFFD880  }
0x1e: {  	[spmem:s15], [sflag:s14] =	dma.local [hbm:s8], $0x2780  }
0x1f: {  	_ =	swait.ge [sflag:s11], $0x2780  }
0x20: {  	[sflag:s11] =	ssyncset.done $0x0  }
0x21: {  	[sflag:s11] =	ssyncadd.s32 $0xFFFFD880  }
0x22: {  	s23 =	simm.s32 $0x0;
	[bflag:$0x0] =	sbarrier.arrive $0xFFFF  }
.LBB2_2:
0x23: {  	s24 =	sshll.u32 s23, $0x7  }
0x24: {  	s25 =	sadd.s32 $0x2800, s24  }
0x25: {  	[tilespmem:s17], [sflag:$0x1] =	stream.indirect.gather [hbm4b:s4+s16], $0x80, s25, s16, $0xb8;
	[tilespmem:$0x1F400] =	vst v63  }
0x26: {  	s31 =	simm.s32 $0x0;
	s30 =	sadd.s32 $0x2840, s24  }
0x27: {  	v0 =	vmov s31;
	[tilespmem:s18], [sflag:$0x2] =	stream.indirect.gather [hbm4b:s4+s16], $0x80, s30, s16, $0xb8;
	[tilespmem:$0x1F400] =	vst v63  }
0x28: {  	v0 =	vand.u32 $0xFFFFFFFE, v0;
	_ =	swait.ge [sflag:s19], $0x2000  }
0x29: {  	v1 =	vbroadcast v0, $0x0;
	[sflag:s19] =	ssyncset.done $0x0  }
0x2a: {  	[sflag:s19] =	ssyncadd.s32 $0xFFFFE000  }
0x2b: {  	_ =	swait.ge [sflag:s20], $0x2000  }
0x2c: {  	[sflag:s20] =	ssyncset.done $0x0  }
0x2d: {  	s25 =	simm.s32 $0x7880;
	[sflag:s20] =	ssyncadd.s32 $0xFFFFE000  }
0x2e: {  	s26 =	sadd.s32 $0x5000, s24;
	v4 =	vld [tilespmem:s25+$0xFFFFFFF0]  }
0x2f: {  	v5 =	vld.idx.msk [tilespmem:v1+s26+$0x0], $0xffff  }
0x30: {  	v6 =	vld [tilespmem:s25+$0xFFFFFF80]  }
0x31: {  	v7 =	vld [tilespmem:s25+$0xFFFFFFA0]  }
0x32: {  	v3 =	vld [tilespmem:s25+$0xFFFFFFB0]  }
0x33: {  	v2 =	vld [tilespmem:s25+$0xFFFFFFD0]  }
0x34: {  	v9 =	vld [tilespmem:s25+$0xFFFFFF90];
	v4 =	vmul.f32 v4, v5  }
0x35: {  	v8 =	vld [tilespmem:s25+$0xFFFFFFE0];
	v6 =	vmul.f32 v6, v5  }
0x36: {  	v10 =	vld [tilespmem:s25+$0xFFFFFFC0];
	v7 =	vmul.f32 v7, v5;
	[tilespmem:s25+$0xFFFFFFF0] =	vst v4  }
0x37: {  	v3 =	vmul.f32 v3, v5;
	[tilespmem:s25+$0xFFFFFF80] =	vst v6  }
0x38: {  	s28 =	simm.s32 $0x1;
	v2 =	vmul.f32 v2, v5;
	[tilespmem:s25+$0xFFFFFFA0] =	vst v7  }
0x39: {  	v4 =	vmul.f32 v9, v5;
	[tilespmem:s25+$0xFFFFFFB0] =	vst v3;
	v6 =	vmov s28  }
0x3a: {  	v0 =	vld [tilespmem:s25+$0x0];
	v3 =	vmul.f32 v8, v5;
	[tilespmem:s25+$0xFFFFFFD0] =	vst v2  }
0x3b: {  	v1 =	vld [tilespmem:s25+$0x10];
	v2 =	vmul.f32 v10, v5;
	[tilespmem:s25+$0xFFFFFF90] =	vst v4  }
0x3c: {  	[tilespmem:s25+$0xFFFFFFE0] =	vst v3;
	v4 =	vld [tilespmem:s25+$0x30]  }
0x3d: {  	[tilespmem:s25+$0xFFFFFFC0] =	vst v2;
	v3 =	vld [tilespmem:s25+$0x70]  }
0x3e: {  	s29 =	simm.s32 $0x7880;
	s28 =	simm.s32 $0x2;
	v2 =	vld.idx.msk [tilespmem:v6+s26+$0x0], $0xffff  }
.LBB2_3:
0x3f: {  	p0 =	slt.u32 s28, $0x7E  }
0x40: {  	v5 =	vld [tilespmem:s25+$0x20];
	s29 =	sadd.s32 $0x100, s29;
	s30 =	smov.u32 s28;
	s28 =	sadd.s32 $0x2, s28  }
0x41: {  	v6 =	vld [tilespmem:s25+$0x40]  }
0x42: {  	v7 =	vld [tilespmem:s25+$0x50]  }
0x43: {  	v8 =	vld [tilespmem:s25+$0x60];
	_ =	sdelay $0x1  }
0x44: {  	v0 =	vmul.f32 v0, v2;
	v1 =	vmul.f32 v1, v2  }
0x45: {  	v4 =	vmul.f32 v4, v2;
	v5 =	vmul.f32 v5, v2  }
0x46: {  	v9 =	vmov s30;
	v6 =	vmul.f32 v6, v2;
	[tilespmem:s25+$0x0] =	vst v0;
	v7 =	vmul.f32 v7, v2  }
0x47: {  	v9 =	vand.u32 $0xFFFFFFFE, v9;
	v0 =	vld [tilespmem:s29+$0x0];
	[tilespmem:s25+$0x30] =	vst v4;
	v4 =	vmul.f32 v8, v2;
	v2 =	vmul.f32 v3, v2  }
0x48: {  	v3 =	vbroadcast v9, $0x0;
	[tilespmem:s25+$0x10] =	vst v1  }
0x49: {  	[tilespmem:s25+$0x70] =	vst v2  }
0x4a: {  	v2 =	vld [tilespmem:s29+$0xFFFFFFD0];
	[tilespmem:s25+$0x20] =	vst v5  }
0x4b: {  	v5 =	vld [tilespmem:s29+$0xFFFFFFB0];
	[tilespmem:s25+$0x60] =	vst v4  }
0x4c: {  	v4 =	vld [tilespmem:s29+$0xFFFFFFE0];
	[tilespmem:s25+$0x40] =	vst v6  }
0x4d: {  	v6 =	vld [tilespmem:s29+$0xFFFFFFF0];
	[tilespmem:s25+$0x50] =	vst v7;
	s25 =	smov.u32 s29  }
0x4e: {  	v3 =	vld.idx.msk [tilespmem:v3+s26+$0x0], $0xffff  }
0x4f: {  	v7 =	vld [tilespmem:s29+$0xFFFFFF80]  }
0x50: {  	v8 =	vld [tilespmem:s29+$0xFFFFFFA0]  }
0x51: {  	v9 =	vld [tilespmem:s29+$0xFFFFFF90]  }
0x52: {  	v10 =	vld [tilespmem:s29+$0xFFFFFFC0]  }
0x53: {  	v1 =	vld [tilespmem:s29+$0x10]  }
0x54: {  	v6 =	vmul.f32 v6, v3;
	v7 =	vmul.f32 v7, v3  }
0x55: {  	v4 =	vmul.f32 v4, v3;
	v8 =	vmul.f32 v8, v3  }
0x56: {  	v5 =	vmul.f32 v5, v3;
	v9 =	vmul.f32 v9, v3;
	[tilespmem:s29+$0xFFFFFFF0] =	vst v6  }
0x57: {  	v2 =	vmul.f32 v2, v3;
	[tilespmem:s29+$0xFFFFFF80] =	vst v7;
	v6 =	vmul.f32 v10, v3  }
0x58: {  	s30 =	sadd.s32 $0x1, s30;
	[tilespmem:s29+$0xFFFFFFA0] =	vst v8  }
0x59: {  	[tilespmem:s29+$0xFFFFFFB0] =	vst v5;
	v5 =	vmov s30  }
.Ltmp0:
0x5a: {  	[tilespmem:s29+$0xFFFFFFD0] =	vst v2;
	(pc) =	sbr.rel @p0 .LBB2_3-.Ltmp0, $4  }
0x5b: {  	[tilespmem:s29+$0xFFFFFF90] =	vst v9  }
0x5c: {  	[tilespmem:s29+$0xFFFFFFE0] =	vst v4;
	v4 =	vld [tilespmem:s29+$0x30]  }
0x5d: {  	[tilespmem:s29+$0xFFFFFFC0] =	vst v6;
	v3 =	vld [tilespmem:s29+$0x70]  }
0x5e: {  	v2 =	vld.idx.msk [tilespmem:v5+s26+$0x0], $0xffff  }
0x5f: {  	_ =	sdelay $0x2  }
0x60: {  	v5 =	vld [tilespmem:s25+$0x20]  }
0x61: {  	v6 =	vld [tilespmem:s25+$0x60];
	v0 =	vmul.f32 v0, v2  }
0x62: {  	v7 =	vld [tilespmem:s25+$0x40];
	v4 =	vmul.f32 v4, v2  }
0x63: {  	v8 =	vld [tilespmem:s25+$0x50];
	v1 =	vmul.f32 v1, v2;
	[tilespmem:s25+$0x0] =	vst v0  }
0x64: {  	v59 =	vmul.f32 v3, v2;
	[tilespmem:s25+$0x30] =	vst v4  }
0x65: {  	v60 =	vmul.f32 v5, v2;
	[tilespmem:s25+$0x10] =	vst v1  }
0x66: {  	v61 =	vmul.f32 v6, v2;
	[tilespmem:s25+$0x70] =	vst v59  }
0x67: {  	v62 =	vmul.f32 v7, v2;
	[tilespmem:s25+$0x20] =	vst v60  }
0x68: {  	s23 =	sadd.s32 $0x1, s23;
	v63 =	vmul.f32 v8, v2;
	[tilespmem:s25+$0x60] =	vst v61  }
0x69: {  	p0 =	sne.s32 s23, $0x4F;
	[tilespmem:s25+$0x40] =	vst v62  }
.Ltmp1:
0x6a: {  	[tilespmem:s25+$0x50] =	vst v63;
	(pc) =	sbr.rel @p0 .LBB2_2-.Ltmp1, $4  }
0x6b: {  	[spmem:s2] =	stream.indirect.scatter.add.f32 [tilespmem:s17], [sflag:$0x3], $0x80, s24, s21, $0xb8;
	[tilespmem:$0x1F400] =	vst v63  }
0x6c: {  	_ =	swait.ge [sflag:s11], $0x4000  }
0x6d: {  	[sflag:s11] =	ssyncset.done $0x0  }
0x6e: {  	[sflag:s11] =	ssyncadd.s32 $0xFFFFC000  }
0x6f: {  	s22 =	sadd.s32 $0x1, s22  }
0x70: {  	p0 =	sne.s32 s22, s10  }
.Ltmp2:
0x71: {  	[bflag:$0x0] =	sbarrier.arrive $0xFFFF;
	(pc) =	sbr.rel @p0 .LBB2_1-.Ltmp2, $4  }
0x72: {  	[hbm:s9], [sflag:s14] =	dma.local [spmem:s15], $0x2780  }
0x73: {  	_ =	swait.ge [sflag:s11], $0x2780  }
0x74: {  	[sflag:s11] =	ssyncset.done $0x0  }
0x75: {  	[sflag:s11] =	ssyncadd.s32 $0xFFFFD880  }
0x76: {  	_ =	sfence.sel $0x180000  }
0x77: {  	[bflag:$0x0] =	sbarrier.arrive $0xFFFF  }
0x78: {  	p0 =	sne.s32 s0, $0x0;
	_ =	strace $0x90000047  }
0x79: {  	s0 =	sadd.s32 @!p0 $0x100000, s1;
	[bflag:$0x2] =	sbarrier.arrive $0xFFFF  }
0x7a: {  	[sflag:s0] =	ssyncadd.tile.s32 @!p0 $0x1;
	_ =	shalt  }
.Lfunc_end2:
_tile_overlayer_lowered:
.L_overlay_start_2:
0x7b: {  	(tag) =	ssettag $0x2  }
0x7c: {  	s0 =	rddreg [dreg:$0x0];
	s2 =	stileid.u32  }
0x7d: {  	s1 =	rddreg [dreg:$0x1];
	p0 =	sne.s32 s2, $0x0  }
0x7e: {  	s3 =	rddreg [dreg:$0x2];
	[bflag:$0x3] =	sbarrier.arrive $0xFFFF;
	s2 =	simm.s32 @!p0 $0x1C03  }
0x7f: {  	[timem:s3], [sflag:s2] =	dma.local @!p0 [hbm:s0], s1  }
0x80: {  	s0 =	simm.s32 @!p0 $0x3  }
0x81: {  	_ =	swait.ge @!p0 [sflag:s0], s1  }
0x82: {  	s1 =	ssub.s32 @!p0 $0x0, s1;
	[sflag:s0] =	ssyncset.done @!p0 $0x0  }
0x83: {  	[sflag:s0] =	ssyncadd.s32 @!p0 s1  }
0x84: {  	[bflag:$0x3] =	sbarrier.arrive $0xFFFF  }
0x85: {  	_ =	shalt  }

</sc_bundles>
